<compile_context>
chip_gen: v7x
topology: tpu7x:2x2x1
jax: 0.10.2.dev20260603
libtpu: 0.0.44.dev20260713+nightly
codegen_flags: <defaults>
</compile_context>

<pallas_src>
import functools

import jax
import jax.numpy as jnp
from jax import lax
from jax.experimental import pallas as pl
from jax.experimental.pallas import tpu as pltpu
from jax.experimental.pallas import tpu_sc as plsc

N_CORES = 2
N_SUB = 16
N_WORKERS = N_CORES * N_SUB
N_PIPE = 5



def _mm1_body(x_ref, w_ref, o_ref):
    o_ref[...] = jnp.concatenate(
        [jnp.dot(x_ref[:, j, :], w_ref[...],
                 preferred_element_type=jnp.float32) for j in range(8)],
        axis=1)


def _act_body(p_ref, y_ref, b_ref, s_ref, o_ref):
    z = p_ref[0] + p_ref[1] + s_ref[0, 0] * y_ref[...] + b_ref[...]
    o_ref[...] = jax.nn.sigmoid(z)


def _mm2_body(q_ref, h_ref, w_ref, b_ref, s_ref, o_ref):
    d = w_ref.shape[0]
    z = q_ref[0] + q_ref[1] + s_ref[0, 0] * h_ref[...]
    for j in range(8):
        o_ref[:, j, :] = jnp.dot(z[:, j * d:(j + 1) * d], w_ref[...],
                                 preferred_element_type=jnp.float32) + b_ref[...]



@functools.cache
def _make_sc_agg(n_y, n_sc, d, e_tile):
    rows_per_tile = n_sc // N_SUB
    rows_y = n_y // N_SUB
    sub = e_tile // N_PIPE
    mesh = plsc.VectorSubcoreMesh(core_axis_name="c", subcore_axis_name="s")

    @functools.partial(
        pl.kernel,
        mesh=mesh,
        out_type=jax.ShapeDtypeStruct((N_CORES, n_sc, d), jnp.float32),
        scratch_types=[
            pltpu.VMEM((e_tile,), jnp.int32),
            pltpu.VMEM((e_tile,), jnp.int32),
            pltpu.VMEM((e_tile, d), jnp.float32),
            pltpu.VMEM_SHARED((n_sc, d), jnp.float32),
            pltpu.VMEM_SHARED((n_y, d), jnp.float32),
            [pltpu.SemaphoreType.DMA] * N_PIPE,
            pltpu.SemaphoreType.DMA,
        ],
        compiler_params=pltpu.CompilerParams(use_tc_tiling_on_sc=False),
    )
    def sc_agg(y_hbm, ei_hbm, zeros_hbm, out_hbm, src_v, dst_v, msgs, acc,
               y_spm, sems_g, sem_s):
        c = lax.axis_index("c")
        s = lax.axis_index("s")
        wid = s * N_CORES + c
        base = wid * e_tile

        rslice = pl.ds(s * rows_per_tile, rows_per_tile)
        yslice = pl.ds(s * rows_y, rows_y)
        i1 = pltpu.async_copy(ei_hbm.at[0, pl.ds(base, e_tile)], src_v,
                              sems_g[0])
        i2 = pltpu.async_copy(ei_hbm.at[1, pl.ds(base, e_tile)], dst_v,
                              sems_g[1])
        i3 = pltpu.async_copy(y_hbm.at[yslice], y_spm.at[yslice], sem_s)
        i4 = pltpu.async_copy(zeros_hbm.at[rslice], acc.at[rslice], sem_s)
        i3.wait()
        i4.wait()
        plsc.subcore_barrier()
        i1.wait()
        i2.wait()

        gathers = [
            pltpu.async_copy(y_spm.at[src_v.at[pl.ds(j * sub, sub)]],
                             msgs.at[pl.ds(j * sub, sub)], sems_g[j])
            for j in range(N_PIPE)
        ]

        scatters = []
        for j in range(N_PIPE):
            gathers[j].wait()
            scatters.append(
                pltpu.async_copy(msgs.at[pl.ds(j * sub, sub)],
                                 acc.at[dst_v.at[pl.ds(j * sub, sub)]],
                                 sem_s, add=True))
        for sc_copy in scatters:
            sc_copy.wait()

        plsc.subcore_barrier()

        pltpu.sync_copy(acc.at[pl.ds(s * rows_per_tile, rows_per_tile)],
                        out_hbm.at[c, pl.ds(s * rows_per_tile, rows_per_tile)])

    return sc_agg



def kernel(x, edge_index, edge_weight, W1, b1, eps1, W2, b2, eps2):
    n, d_in = x.shape
    d_hid = W1.shape[1]
    d_out = W2.shape[1]
    n_edges = edge_index.shape[1]
    e_tile = n_edges // N_WORKERS
    d8 = 8 * d_hid
    gb = 128
    npk = -(-n // (8 * gb)) * 8 * gb
    rows = npk // 8
    ng = rows // gb

    ei = edge_index.astype(jnp.int32)
    zeros = jnp.zeros((npk, d_hid), jnp.float32)
    sc_agg = _make_sc_agg(npk, npk, d_hid, e_tile)

    grid = (ng,)
    scale1 = (1.0 + eps1).astype(jnp.float32).reshape(1, 1)
    scale2 = (1.0 + eps2).astype(jnp.float32).reshape(1, 1)
    b1t = jnp.tile(b1.reshape(1, d_hid), (1, 8))

    x3 = x.reshape(n // 8, 8, d_in)
    y8 = pl.pallas_call(
        _mm1_body,
        grid=grid,
        in_specs=[pl.BlockSpec((gb, 8, d_in), lambda i: (i, 0, 0)),
                  pl.BlockSpec((d_in, d_hid), lambda i: (0, 0))],
        out_specs=pl.BlockSpec((gb, d8), lambda i: (i, 0)),
        out_shape=jax.ShapeDtypeStruct((rows, d8), jnp.float32),
    )(x3, W1)

    p = sc_agg(y8.reshape(npk, d_hid), ei, zeros)

    p8 = p.reshape(N_CORES, rows, d8)
    h8 = pl.pallas_call(
        _act_body,
        in_specs=[pl.BlockSpec((N_CORES, rows, d8), lambda: (0, 0, 0)),
                  pl.BlockSpec((rows, d8), lambda: (0, 0)),
                  pl.BlockSpec((1, d8), lambda: (0, 0)),
                  pl.BlockSpec((1, 1), lambda: (0, 0))],
        out_specs=pl.BlockSpec((rows, d8), lambda: (0, 0)),
        out_shape=jax.ShapeDtypeStruct((rows, d8), jnp.float32),
    )(p8, y8, b1t, scale1)

    q = sc_agg(h8.reshape(npk, d_hid), ei, zeros)

    q8 = q.reshape(N_CORES, rows, d8)
    out3 = pl.pallas_call(
        _mm2_body,
        grid=grid,
        in_specs=[pl.BlockSpec((N_CORES, gb, d8), lambda i: (0, i, 0)),
                  pl.BlockSpec((gb, d8), lambda i: (i, 0)),
                  pl.BlockSpec((d_hid, d_out), lambda i: (0, 0)),
                  pl.BlockSpec((1, d_out), lambda i: (0, 0)),
                  pl.BlockSpec((1, 1), lambda i: (0, 0))],
        out_specs=pl.BlockSpec((gb, 8, d_out), lambda i: (i, 0, 0)),
        out_shape=jax.ShapeDtypeStruct((n // 8, 8, d_out), jnp.float32),
    )(q8, h8, W2, b2.reshape(1, d_out), scale2)

    return out3.reshape(n, d_out)

# --- scband reference (transcript-rebuilt; emitter-appended) ---
"""Pipeline reference for scband-gin-11312943857820 (READ-ONLY COPY).

The authoritative reference and input builder live on the scoring server;
editing this copy changes nothing except your own understanding.
"""

import jax, jax.numpy as jnp
import numpy as np

N_NODES = 10000
N_EDGES = 160000
D_IN = 256
D_HID = 16
D_OUT = 256


def setup_inputs(seed: int = 0) -> dict:
    key = jax.random.key(seed)
    ks = jax.random.split(key, 8)
    x = jax.random.normal(ks[0], (N_NODES, D_IN), dtype=jnp.float32)
    edge_index = jax.random.randint(ks[1], (2, N_EDGES), 0, N_NODES, dtype=jnp.int64)
    edge_weight = jax.random.uniform(ks[2], (N_EDGES,), dtype=jnp.float32)
    # conv1 linear: in_channels -> 16
    W1 = jax.random.normal(ks[3], (D_IN, D_HID), dtype=jnp.float32) * (1.0 / np.sqrt(D_IN))
    b1 = jnp.zeros((D_HID,), dtype=jnp.float32)
    eps1 = jnp.zeros((), dtype=jnp.float32)  # train_eps=True, init 0
    # conv2 linear: 16 -> out_channels
    W2 = jax.random.normal(ks[4], (D_HID, D_OUT), dtype=jnp.float32) * (1.0 / np.sqrt(D_HID))
    b2 = jnp.zeros((D_OUT,), dtype=jnp.float32)
    eps2 = jnp.zeros((), dtype=jnp.float32)
    return {"x": x, "edge_index": edge_index, "edge_weight": edge_weight,
            "W1": W1, "b1": b1, "eps1": eps1, "W2": W2, "b2": b2, "eps2": eps2}


def _gin_conv(x, src, dst, W, b, eps, num_nodes):
    # message: x_j (mlp/nn2 is None), aggr='add'
    msgs = jnp.take(x, src, axis=0)
    agg = jax.ops.segment_sum(msgs, dst, num_segments=num_nodes)
    out = agg + (1.0 + eps) * x
    return out @ W + b


def reference(x, edge_index, edge_weight, W1, b1, eps1, W2, b2, eps2):
    # Note: the original forward passes edge_weight into GINConv's `size`
    # positional slot; with a square same-node-set graph it does not alter the
    # math, so edge_weight is effectively unused (messages are raw x_j).
    src = edge_index[0]
    dst = edge_index[1]
    n = x.shape[0]
    h = _gin_conv(x, src, dst, W1, b1, eps1, n)
    h = jax.nn.sigmoid(h)
    # dropout p=0.1 is identity in eval mode
    out = _gin_conv(h, src, dst, W2, b2, eps2, n)
    return out

if __name__ == "__main__":
    import jax
    _d = setup_inputs()
    print(jax.jit(kernel)(*tuple(_d.values())))

</pallas_src>

<mosaic_0001>
#map = affine_map<(d0, d1) -> (0, 0)>
#map1 = affine_map<(d0, d1) -> (0, 0, 0)>
module attributes {stable_mosaic.version = 14 : i64} {
  func.func @sc_agg(%arg0: i32, %arg1: i32, %arg2: memref<10240x16xf32, #tpu.memory_space<hbm>>, %arg3: memref<2x160000xi32, #tpu.memory_space<hbm>>, %arg4: memref<10240x16xf32, #tpu.memory_space<hbm>>, %arg5: memref<2x10240x16xf32, #tpu.memory_space<hbm>>, %arg6: memref<5000xi32, #tpu.memory_space<vmem>>, %arg7: memref<5000xi32, #tpu.memory_space<vmem>>, %arg8: memref<5000x16xf32, #tpu.memory_space<vmem>>, %arg9: memref<10240x16xf32, #tpu.memory_space<vmem_shared>>, %arg10: memref<10240x16xf32, #tpu.memory_space<vmem_shared>>, %arg11: memref<!tpu.dma_semaphore, #tpu.memory_space<semaphore_mem>>, %arg12: memref<!tpu.dma_semaphore, #tpu.memory_space<semaphore_mem>>, %arg13: memref<!tpu.dma_semaphore, #tpu.memory_space<semaphore_mem>>, %arg14: memref<!tpu.dma_semaphore, #tpu.memory_space<semaphore_mem>>, %arg15: memref<!tpu.dma_semaphore, #tpu.memory_space<semaphore_mem>>, %arg16: memref<!tpu.dma_semaphore, #tpu.memory_space<semaphore_mem>>) attributes {dimension_semantics = [#tpu.dimension_semantics<core_parallel>, #tpu.dimension_semantics<subcore_parallel>], iteration_bounds = array<i64: 2, 16>, scalar_prefetch = 0 : i64, scratch_operands = 11 : i64, tpu.core_type = #tpu.core_type<sc_vector_subcore>, window_params = [{transform_indices = #map}, {transform_indices = #map}, {transform_indices = #map}, {transform_indices = #map1}]} {
    %mul3A = arith.constant 2 : i32
    %mul3A_0 = arith.muli %arg1, %mul3A : i32
    %add3A = arith.addi %mul3A_0, %arg0 : i32
    %mul3A_1 = arith.constant 5000 : i32
    %mul3A_2 = arith.muli %add3A, %mul3A_1 : i32
    %mul3A_3 = arith.constant 640 : i32
    %mul3A_4 = arith.muli %arg1, %mul3A_3 : i32
    %mul3A_5 = arith.constant 640 : i32
    %mul3A_6 = arith.muli %arg1, %mul3A_5 : i32
    %dma_start3A = arith.constant 0 : i32
    %dma_start3A_7 = tpu.memref_slice %arg3[%dma_start3A, %mul3A_2] : memref<2x160000xi32, #tpu.memory_space<hbm>> -> memref<1x5000xi32, #tpu.memory_space<hbm>>
    %dma_start3A_8 = tpu.memref_squeeze %dma_start3A_7 : memref<1x5000xi32, #tpu.memory_space<hbm>> -> memref<5000xi32, #tpu.memory_space<hbm>>
    %dma_start3A_9 = tpu.memref_slice %arg3[%dma_start3A, %mul3A_2] : memref<2x160000xi32, #tpu.memory_space<hbm>> -> memref<1x5000xi32, #tpu.memory_space<hbm>>
    %dma_start3A_10 = tpu.memref_squeeze %dma_start3A_9 : memref<1x5000xi32, #tpu.memory_space<hbm>> -> memref<5000xi32, #tpu.memory_space<hbm>>
    tpu.enqueue_dma source(%dma_start3A_10 : memref<5000xi32, #tpu.memory_space<hbm>>) target(%arg6 : memref<5000xi32, #tpu.memory_space<vmem>>) target_semaphore(%arg11 : memref<!tpu.dma_semaphore, #tpu.memory_space<semaphore_mem>>)
    %dma_start3A_11 = arith.constant 1 : i32
    %dma_start3A_12 = tpu.memref_slice %arg3[%dma_start3A_11, %mul3A_2] : memref<2x160000xi32, #tpu.memory_space<hbm>> -> memref<1x5000xi32, #tpu.memory_space<hbm>>
    %dma_start3A_13 = tpu.memref_squeeze %dma_start3A_12 : memref<1x5000xi32, #tpu.memory_space<hbm>> -> memref<5000xi32, #tpu.memory_space<hbm>>
    %dma_start3A_14 = tpu.memref_slice %arg3[%dma_start3A_11, %mul3A_2] : memref<2x160000xi32, #tpu.memory_space<hbm>> -> memref<1x5000xi32, #tpu.memory_space<hbm>>
    %dma_start3A_15 = tpu.memref_squeeze %dma_start3A_14 : memref<1x5000xi32, #tpu.memory_space<hbm>> -> memref<5000xi32, #tpu.memory_space<hbm>>
    tpu.enqueue_dma source(%dma_start3A_15 : memref<5000xi32, #tpu.memory_space<hbm>>) target(%arg7 : memref<5000xi32, #tpu.memory_space<vmem>>) target_semaphore(%arg12 : memref<!tpu.dma_semaphore, #tpu.memory_space<semaphore_mem>>)
    %dma_start3A_16 = arith.constant 0 : i32
    %dma_start3A_17 = tpu.memref_slice %arg10[%mul3A_6, %dma_start3A_16] : memref<10240x16xf32, #tpu.memory_space<vmem_shared>> -> memref<640x16xf32, #tpu.memory_space<vmem_shared>>
    %dma_start3A_18 = arith.constant 0 : i32
    %dma_start3A_19 = tpu.memref_slice %arg2[%mul3A_6, %dma_start3A_18] : memref<10240x16xf32, #tpu.memory_space<hbm>> -> memref<640x16xf32, #tpu.memory_space<hbm>>
    tpu.enqueue_dma source(%dma_start3A_19 : memref<640x16xf32, #tpu.memory_space<hbm>>) target(%dma_start3A_17 : memref<640x16xf32, #tpu.memory_space<vmem_shared>>) target_semaphore(%arg16 : memref<!tpu.dma_semaphore, #tpu.memory_space<semaphore_mem>>)
    %dma_start3A_20 = arith.constant 0 : i32
    %dma_start3A_21 = tpu.memref_slice %arg9[%mul3A_4, %dma_start3A_20] : memref<10240x16xf32, #tpu.memory_space<vmem_shared>> -> memref<640x16xf32, #tpu.memory_space<vmem_shared>>
    %dma_start3A_22 = arith.constant 0 : i32
    %dma_start3A_23 = tpu.memref_slice %arg4[%mul3A_4, %dma_start3A_22] : memref<10240x16xf32, #tpu.memory_space<hbm>> -> memref<640x16xf32, #tpu.memory_space<hbm>>
    tpu.enqueue_dma source(%dma_start3A_23 : memref<640x16xf32, #tpu.memory_space<hbm>>) target(%dma_start3A_21 : memref<640x16xf32, #tpu.memory_space<vmem_shared>>) target_semaphore(%arg16 : memref<!tpu.dma_semaphore, #tpu.memory_space<semaphore_mem>>)
    %dma_wait3A = arith.constant 0 : i32
    %dma_wait3A_24 = tpu.memref_slice %arg10[%mul3A_6, %dma_wait3A] : memref<10240x16xf32, #tpu.memory_space<vmem_shared>> -> memref<640x16xf32, #tpu.memory_space<vmem_shared>>
    %dma_wait3A_25 = arith.constant 0 : i32
    %dma_wait3A_26 = tpu.memref_slice %arg2[%mul3A_6, %dma_wait3A_25] : memref<10240x16xf32, #tpu.memory_space<hbm>> -> memref<640x16xf32, #tpu.memory_space<hbm>>
    tpu.wait_dma2 semaphore(%arg16 : memref<!tpu.dma_semaphore, #tpu.memory_space<semaphore_mem>>) src(%dma_wait3A_26 : memref<640x16xf32, #tpu.memory_space<hbm>>) dst(%dma_wait3A_24 : memref<640x16xf32, #tpu.memory_space<vmem_shared>>)
    %dma_wait3A_27 = arith.constant 0 : i32
    %dma_wait3A_28 = tpu.memref_slice %arg9[%mul3A_4, %dma_wait3A_27] : memref<10240x16xf32, #tpu.memory_space<vmem_shared>> -> memref<640x16xf32, #tpu.memory_space<vmem_shared>>
    %dma_wait3A_29 = arith.constant 0 : i32
    %dma_wait3A_30 = tpu.memref_slice %arg4[%mul3A_4, %dma_wait3A_29] : memref<10240x16xf32, #tpu.memory_space<hbm>> -> memref<640x16xf32, #tpu.memory_space<hbm>>
    tpu.wait_dma2 semaphore(%arg16 : memref<!tpu.dma_semaphore, #tpu.memory_space<semaphore_mem>>) src(%dma_wait3A_30 : memref<640x16xf32, #tpu.memory_space<hbm>>) dst(%dma_wait3A_28 : memref<640x16xf32, #tpu.memory_space<vmem_shared>>)
    %barrier3A = arith.constant 0 : index
    tpu.barrier barrier_id(%barrier3A)
    %dma_wait3A_31 = arith.constant 0 : i32
    %dma_wait3A_32 = tpu.memref_slice %arg3[%dma_wait3A_31, %mul3A_2] : memref<2x160000xi32, #tpu.memory_space<hbm>> -> memref<1x5000xi32, #tpu.memory_space<hbm>>
    %dma_wait3A_33 = tpu.memref_squeeze %dma_wait3A_32 : memref<1x5000xi32, #tpu.memory_space<hbm>> -> memref<5000xi32, #tpu.memory_space<hbm>>
    %dma_wait3A_34 = tpu.memref_slice %arg3[%dma_wait3A_31, %mul3A_2] : memref<2x160000xi32, #tpu.memory_space<hbm>> -> memref<1x5000xi32, #tpu.memory_space<hbm>>
    %dma_wait3A_35 = tpu.memref_squeeze %dma_wait3A_34 : memref<1x5000xi32, #tpu.memory_space<hbm>> -> memref<5000xi32, #tpu.memory_space<hbm>>
    tpu.wait_dma2 semaphore(%arg11 : memref<!tpu.dma_semaphore, #tpu.memory_space<semaphore_mem>>) src(%dma_wait3A_35 : memref<5000xi32, #tpu.memory_space<hbm>>) dst(%arg6 : memref<5000xi32, #tpu.memory_space<vmem>>)
    %dma_wait3A_36 = arith.constant 1 : i32
    %dma_wait3A_37 = tpu.memref_slice %arg3[%dma_wait3A_36, %mul3A_2] : memref<2x160000xi32, #tpu.memory_space<hbm>> -> memref<1x5000xi32, #tpu.memory_space<hbm>>
    %dma_wait3A_38 = tpu.memref_squeeze %dma_wait3A_37 : memref<1x5000xi32, #tpu.memory_space<hbm>> -> memref<5000xi32, #tpu.memory_space<hbm>>
    %dma_wait3A_39 = tpu.memref_slice %arg3[%dma_wait3A_36, %mul3A_2] : memref<2x160000xi32, #tpu.memory_space<hbm>> -> memref<1x5000xi32, #tpu.memory_space<hbm>>
    %dma_wait3A_40 = tpu.memref_squeeze %dma_wait3A_39 : memref<1x5000xi32, #tpu.memory_space<hbm>> -> memref<5000xi32, #tpu.memory_space<hbm>>
    tpu.wait_dma2 semaphore(%arg12 : memref<!tpu.dma_semaphore, #tpu.memory_space<semaphore_mem>>) src(%dma_wait3A_40 : memref<5000xi32, #tpu.memory_space<hbm>>) dst(%arg7 : memref<5000xi32, #tpu.memory_space<vmem>>)
    %dma_start3A_41 = arith.constant 0 : i32
    %dma_start3A_42 = arith.constant 0 : i32
    %dma_start3A_43 = tpu.memref_slice %arg8[%dma_start3A_41, %dma_start3A_42] : memref<5000x16xf32, #tpu.memory_space<vmem>> -> memref<1000x16xf32, #tpu.memory_space<vmem>>
    %dma_start3A_44 = arith.constant 0 : i32
    %dma_start3A_45 = tpu.memref_slice %arg6[%dma_start3A_44] : memref<5000xi32, #tpu.memory_space<vmem>> -> memref<1000xi32, #tpu.memory_space<vmem>>
    %dma_start3A_46 = arith.constant 0 : i32
    %dma_start3A_47 = arith.constant 0 : i32
    %dma_start3A_48 = tpu.memref_slice %arg10[%dma_start3A_46, %dma_start3A_47] : memref<10240x16xf32, #tpu.memory_space<vmem_shared>> -> memref<10240x16xf32, #tpu.memory_space<vmem_shared>>
    tpu.enqueue_indirect_dma source(%dma_start3A_48 : memref<10240x16xf32, #tpu.memory_space<vmem_shared>>) target(%dma_start3A_43 : memref<1000x16xf32, #tpu.memory_space<vmem>>) offsets(%dma_start3A_45 : memref<1000xi32, #tpu.memory_space<vmem>>) semaphore(%arg11 : memref<!tpu.dma_semaphore, #tpu.memory_space<semaphore_mem>>)
    %dma_start3A_49 = arith.constant 1000 : i32
    %dma_start3A_50 = arith.constant 0 : i32
    %dma_start3A_51 = tpu.memref_slice %arg8[%dma_start3A_49, %dma_start3A_50] : memref<5000x16xf32, #tpu.memory_space<vmem>> -> memref<1000x16xf32, #tpu.memory_space<vmem>>
    %dma_start3A_52 = arith.constant 1000 : i32
    %dma_start3A_53 = tpu.memref_slice %arg6[%dma_start3A_52] : memref<5000xi32, #tpu.memory_space<vmem>> -> memref<1000xi32, #tpu.memory_space<vmem>>
    %dma_start3A_54 = arith.constant 0 : i32
    %dma_start3A_55 = arith.constant 0 : i32
    %dma_start3A_56 = tpu.memref_slice %arg10[%dma_start3A_54, %dma_start3A_55] : memref<10240x16xf32, #tpu.memory_space<vmem_shared>> -> memref<10240x16xf32, #tpu.memory_space<vmem_shared>>
    tpu.enqueue_indirect_dma source(%dma_start3A_56 : memref<10240x16xf32, #tpu.memory_space<vmem_shared>>) target(%dma_start3A_51 : memref<1000x16xf32, #tpu.memory_space<vmem>>) offsets(%dma_start3A_53 : memref<1000xi32, #tpu.memory_space<vmem>>) semaphore(%arg12 : memref<!tpu.dma_semaphore, #tpu.memory_space<semaphore_mem>>)
    %dma_start3A_57 = arith.constant 2000 : i32
    %dma_start3A_58 = arith.constant 0 : i32
    %dma_start3A_59 = tpu.memref_slice %arg8[%dma_start3A_57, %dma_start3A_58] : memref<5000x16xf32, #tpu.memory_space<vmem>> -> memref<1000x16xf32, #tpu.memory_space<vmem>>
    %dma_start3A_60 = arith.constant 2000 : i32
    %dma_start3A_61 = tpu.memref_slice %arg6[%dma_start3A_60] : memref<5000xi32, #tpu.memory_space<vmem>> -> memref<1000xi32, #tpu.memory_space<vmem>>
    %dma_start3A_62 = arith.constant 0 : i32
    %dma_start3A_63 = arith.constant 0 : i32
    %dma_start3A_64 = tpu.memref_slice %arg10[%dma_start3A_62, %dma_start3A_63] : memref<10240x16xf32, #tpu.memory_space<vmem_shared>> -> memref<10240x16xf32, #tpu.memory_space<vmem_shared>>
    tpu.enqueue_indirect_dma source(%dma_start3A_64 : memref<10240x16xf32, #tpu.memory_space<vmem_shared>>) target(%dma_start3A_59 : memref<1000x16xf32, #tpu.memory_space<vmem>>) offsets(%dma_start3A_61 : memref<1000xi32, #tpu.memory_space<vmem>>) semaphore(%arg13 : memref<!tpu.dma_semaphore, #tpu.memory_space<semaphore_mem>>)
    %dma_start3A_65 = arith.constant 3000 : i32
    %dma_start3A_66 = arith.constant 0 : i32
    %dma_start3A_67 = tpu.memref_slice %arg8[%dma_start3A_65, %dma_start3A_66] : memref<5000x16xf32, #tpu.memory_space<vmem>> -> memref<1000x16xf32, #tpu.memory_space<vmem>>
    %dma_start3A_68 = arith.constant 3000 : i32
    %dma_start3A_69 = tpu.memref_slice %arg6[%dma_start3A_68] : memref<5000xi32, #tpu.memory_space<vmem>> -> memref<1000xi32, #tpu.memory_space<vmem>>
    %dma_start3A_70 = arith.constant 0 : i32
    %dma_start3A_71 = arith.constant 0 : i32
    %dma_start3A_72 = tpu.memref_slice %arg10[%dma_start3A_70, %dma_start3A_71] : memref<10240x16xf32, #tpu.memory_space<vmem_shared>> -> memref<10240x16xf32, #tpu.memory_space<vmem_shared>>
    tpu.enqueue_indirect_dma source(%dma_start3A_72 : memref<10240x16xf32, #tpu.memory_space<vmem_shared>>) target(%dma_start3A_67 : memref<1000x16xf32, #tpu.memory_space<vmem>>) offsets(%dma_start3A_69 : memref<1000xi32, #tpu.memory_space<vmem>>) semaphore(%arg14 : memref<!tpu.dma_semaphore, #tpu.memory_space<semaphore_mem>>)
    %dma_start3A_73 = arith.constant 4000 : i32
    %dma_start3A_74 = arith.constant 0 : i32
    %dma_start3A_75 = tpu.memref_slice %arg8[%dma_start3A_73, %dma_start3A_74] : memref<5000x16xf32, #tpu.memory_space<vmem>> -> memref<1000x16xf32, #tpu.memory_space<vmem>>
    %dma_start3A_76 = arith.constant 4000 : i32
    %dma_start3A_77 = tpu.memref_slice %arg6[%dma_start3A_76] : memref<5000xi32, #tpu.memory_space<vmem>> -> memref<1000xi32, #tpu.memory_space<vmem>>
    %dma_start3A_78 = arith.constant 0 : i32
    %dma_start3A_79 = arith.constant 0 : i32
    %dma_start3A_80 = tpu.memref_slice %arg10[%dma_start3A_78, %dma_start3A_79] : memref<10240x16xf32, #tpu.memory_space<vmem_shared>> -> memref<10240x16xf32, #tpu.memory_space<vmem_shared>>
    tpu.enqueue_indirect_dma source(%dma_start3A_80 : memref<10240x16xf32, #tpu.memory_space<vmem_shared>>) target(%dma_start3A_75 : memref<1000x16xf32, #tpu.memory_space<vmem>>) offsets(%dma_start3A_77 : memref<1000xi32, #tpu.memory_space<vmem>>) semaphore(%arg15 : memref<!tpu.dma_semaphore, #tpu.memory_space<semaphore_mem>>)
    %dma_wait3A_81 = arith.constant 0 : i32
    %dma_wait3A_82 = arith.constant 0 : i32
    %dma_wait3A_83 = tpu.memref_slice %arg8[%dma_wait3A_81, %dma_wait3A_82] : memref<5000x16xf32, #tpu.memory_space<vmem>> -> memref<1000x16xf32, #tpu.memory_space<vmem>>
    %dma_wait3A_84 = arith.constant 0 : i32
    %dma_wait3A_85 = tpu.memref_slice %arg6[%dma_wait3A_84] : memref<5000xi32, #tpu.memory_space<vmem>> -> memref<1000xi32, #tpu.memory_space<vmem>>
    %dma_wait3A_86 = arith.constant 0 : i32
    %dma_wait3A_87 = arith.constant 0 : i32
    %dma_wait3A_88 = tpu.memref_slice %arg10[%dma_wait3A_86, %dma_wait3A_87] : memref<10240x16xf32, #tpu.memory_space<vmem_shared>> -> memref<10240x16xf32, #tpu.memory_space<vmem_shared>>
    tpu.wait_indirect_dma semaphore(%arg11 : memref<!tpu.dma_semaphore, #tpu.memory_space<semaphore_mem>>) src(%dma_wait3A_88 : memref<10240x16xf32, #tpu.memory_space<vmem_shared>>) dst(%dma_wait3A_83 : memref<1000x16xf32, #tpu.memory_space<vmem>>)
    %dma_start3A_89 = arith.constant 0 : i32
    %dma_start3A_90 = arith.constant 0 : i32
    %dma_start3A_91 = tpu.memref_slice %arg8[%dma_start3A_89, %dma_start3A_90] : memref<5000x16xf32, #tpu.memory_space<vmem>> -> memref<1000x16xf32, #tpu.memory_space<vmem>>
    %dma_start3A_92 = arith.constant 0 : i32
    %dma_start3A_93 = tpu.memref_slice %arg7[%dma_start3A_92] : memref<5000xi32, #tpu.memory_space<vmem>> -> memref<1000xi32, #tpu.memory_space<vmem>>
    %dma_start3A_94 = arith.constant 0 : i32
    %dma_start3A_95 = arith.constant 0 : i32
    %dma_start3A_96 = tpu.memref_slice %arg9[%dma_start3A_94, %dma_start3A_95] : memref<10240x16xf32, #tpu.memory_space<vmem_shared>> -> memref<10240x16xf32, #tpu.memory_space<vmem_shared>>
    tpu.enqueue_indirect_dma source(%dma_start3A_91 : memref<1000x16xf32, #tpu.memory_space<vmem>>) target(%dma_start3A_96 : memref<10240x16xf32, #tpu.memory_space<vmem_shared>>) offsets(%dma_start3A_93 : memref<1000xi32, #tpu.memory_space<vmem>>) semaphore(%arg16 : memref<!tpu.dma_semaphore, #tpu.memory_space<semaphore_mem>>) {add = true}
    %dma_wait3A_97 = arith.constant 1000 : i32
    %dma_wait3A_98 = arith.constant 0 : i32
    %dma_wait3A_99 = tpu.memref_slice %arg8[%dma_wait3A_97, %dma_wait3A_98] : memref<5000x16xf32, #tpu.memory_space<vmem>> -> memref<1000x16xf32, #tpu.memory_space<vmem>>
    %dma_wait3A_100 = arith.constant 1000 : i32
    %dma_wait3A_101 = tpu.memref_slice %arg6[%dma_wait3A_100] : memref<5000xi32, #tpu.memory_space<vmem>> -> memref<1000xi32, #tpu.memory_space<vmem>>
    %dma_wait3A_102 = arith.constant 0 : i32
    %dma_wait3A_103 = arith.constant 0 : i32
    %dma_wait3A_104 = tpu.memref_slice %arg10[%dma_wait3A_102, %dma_wait3A_103] : memref<10240x16xf32, #tpu.memory_space<vmem_shared>> -> memref<10240x16xf32, #tpu.memory_space<vmem_shared>>
    tpu.wait_indirect_dma semaphore(%arg12 : memref<!tpu.dma_semaphore, #tpu.memory_space<semaphore_mem>>) src(%dma_wait3A_104 : memref<10240x16xf32, #tpu.memory_space<vmem_shared>>) dst(%dma_wait3A_99 : memref<1000x16xf32, #tpu.memory_space<vmem>>)
    %dma_start3A_105 = arith.constant 1000 : i32
    %dma_start3A_106 = arith.constant 0 : i32
    %dma_start3A_107 = tpu.memref_slice %arg8[%dma_start3A_105, %dma_start3A_106] : memref<5000x16xf32, #tpu.memory_space<vmem>> -> memref<1000x16xf32, #tpu.memory_space<vmem>>
    %dma_start3A_108 = arith.constant 1000 : i32
    %dma_start3A_109 = tpu.memref_slice %arg7[%dma_start3A_108] : memref<5000xi32, #tpu.memory_space<vmem>> -> memref<1000xi32, #tpu.memory_space<vmem>>
    %dma_start3A_110 = arith.constant 0 : i32
    %dma_start3A_111 = arith.constant 0 : i32
    %dma_start3A_112 = tpu.memref_slice %arg9[%dma_start3A_110, %dma_start3A_111] : memref<10240x16xf32, #tpu.memory_space<vmem_shared>> -> memref<10240x16xf32, #tpu.memory_space<vmem_shared>>
    tpu.enqueue_indirect_dma source(%dma_start3A_107 : memref<1000x16xf32, #tpu.memory_space<vmem>>) target(%dma_start3A_112 : memref<10240x16xf32, #tpu.memory_space<vmem_shared>>) offsets(%dma_start3A_109 : memref<1000xi32, #tpu.memory_space<vmem>>) semaphore(%arg16 : memref<!tpu.dma_semaphore, #tpu.memory_space<semaphore_mem>>) {add = true}
    %dma_wait3A_113 = arith.constant 2000 : i32
    %dma_wait3A_114 = arith.constant 0 : i32
    %dma_wait3A_115 = tpu.memref_slice %arg8[%dma_wait3A_113, %dma_wait3A_114] : memref<5000x16xf32, #tpu.memory_space<vmem>> -> memref<1000x16xf32, #tpu.memory_space<vmem>>
    %dma_wait3A_116 = arith.constant 2000 : i32
    %dma_wait3A_117 = tpu.memref_slice %arg6[%dma_wait3A_116] : memref<5000xi32, #tpu.memory_space<vmem>> -> memref<1000xi32, #tpu.memory_space<vmem>>
    %dma_wait3A_118 = arith.constant 0 : i32
    %dma_wait3A_119 = arith.constant 0 : i32
    %dma_wait3A_120 = tpu.memref_slice %arg10[%dma_wait3A_118, %dma_wait3A_119] : memref<10240x16xf32, #tpu.memory_space<vmem_shared>> -> memref<10240x16xf32, #tpu.memory_space<vmem_shared>>
    tpu.wait_indirect_dma semaphore(%arg13 : memref<!tpu.dma_semaphore, #tpu.memory_space<semaphore_mem>>) src(%dma_wait3A_120 : memref<10240x16xf32, #tpu.memory_space<vmem_shared>>) dst(%dma_wait3A_115 : memref<1000x16xf32, #tpu.memory_space<vmem>>)
    %dma_start3A_121 = arith.constant 2000 : i32
    %dma_start3A_122 = arith.constant 0 : i32
    %dma_start3A_123 = tpu.memref_slice %arg8[%dma_start3A_121, %dma_start3A_122] : memref<5000x16xf32, #tpu.memory_space<vmem>> -> memref<1000x16xf32, #tpu.memory_space<vmem>>
    %dma_start3A_124 = arith.constant 2000 : i32
    %dma_start3A_125 = tpu.memref_slice %arg7[%dma_start3A_124] : memref<5000xi32, #tpu.memory_space<vmem>> -> memref<1000xi32, #tpu.memory_space<vmem>>
    %dma_start3A_126 = arith.constant 0 : i32
    %dma_start3A_127 = arith.constant 0 : i32
    %dma_start3A_128 = tpu.memref_slice %arg9[%dma_start3A_126, %dma_start3A_127] : memref<10240x16xf32, #tpu.memory_space<vmem_shared>> -> memref<10240x16xf32, #tpu.memory_space<vmem_shared>>
    tpu.enqueue_indirect_dma source(%dma_start3A_123 : memref<1000x16xf32, #tpu.memory_space<vmem>>) target(%dma_start3A_128 : memref<10240x16xf32, #tpu.memory_space<vmem_shared>>) offsets(%dma_start3A_125 : memref<1000xi32, #tpu.memory_space<vmem>>) semaphore(%arg16 : memref<!tpu.dma_semaphore, #tpu.memory_space<semaphore_mem>>) {add = true}
    %dma_wait3A_129 = arith.constant 3000 : i32
    %dma_wait3A_130 = arith.constant 0 : i32
    %dma_wait3A_131 = tpu.memref_slice %arg8[%dma_wait3A_129, %dma_wait3A_130] : memref<5000x16xf32, #tpu.memory_space<vmem>> -> memref<1000x16xf32, #tpu.memory_space<vmem>>
    %dma_wait3A_132 = arith.constant 3000 : i32
    %dma_wait3A_133 = tpu.memref_slice %arg6[%dma_wait3A_132] : memref<5000xi32, #tpu.memory_space<vmem>> -> memref<1000xi32, #tpu.memory_space<vmem>>
    %dma_wait3A_134 = arith.constant 0 : i32
    %dma_wait3A_135 = arith.constant 0 : i32
    %dma_wait3A_136 = tpu.memref_slice %arg10[%dma_wait3A_134, %dma_wait3A_135] : memref<10240x16xf32, #tpu.memory_space<vmem_shared>> -> memref<10240x16xf32, #tpu.memory_space<vmem_shared>>
    tpu.wait_indirect_dma semaphore(%arg14 : memref<!tpu.dma_semaphore, #tpu.memory_space<semaphore_mem>>) src(%dma_wait3A_136 : memref<10240x16xf32, #tpu.memory_space<vmem_shared>>) dst(%dma_wait3A_131 : memref<1000x16xf32, #tpu.memory_space<vmem>>)
    %dma_start3A_137 = arith.constant 3000 : i32
    %dma_start3A_138 = arith.constant 0 : i32
    %dma_start3A_139 = tpu.memref_slice %arg8[%dma_start3A_137, %dma_start3A_138] : memref<5000x16xf32, #tpu.memory_space<vmem>> -> memref<1000x16xf32, #tpu.memory_space<vmem>>
    %dma_start3A_140 = arith.constant 3000 : i32
    %dma_start3A_141 = tpu.memref_slice %arg7[%dma_start3A_140] : memref<5000xi32, #tpu.memory_space<vmem>> -> memref<1000xi32, #tpu.memory_space<vmem>>
    %dma_start3A_142 = arith.constant 0 : i32
    %dma_start3A_143 = arith.constant 0 : i32
    %dma_start3A_144 = tpu.memref_slice %arg9[%dma_start3A_142, %dma_start3A_143] : memref<10240x16xf32, #tpu.memory_space<vmem_shared>> -> memref<10240x16xf32, #tpu.memory_space<vmem_shared>>
    tpu.enqueue_indirect_dma source(%dma_start3A_139 : memref<1000x16xf32, #tpu.memory_space<vmem>>) target(%dma_start3A_144 : memref<10240x16xf32, #tpu.memory_space<vmem_shared>>) offsets(%dma_start3A_141 : memref<1000xi32, #tpu.memory_space<vmem>>) semaphore(%arg16 : memref<!tpu.dma_semaphore, #tpu.memory_space<semaphore_mem>>) {add = true}
    %dma_wait3A_145 = arith.constant 4000 : i32
    %dma_wait3A_146 = arith.constant 0 : i32
    %dma_wait3A_147 = tpu.memref_slice %arg8[%dma_wait3A_145, %dma_wait3A_146] : memref<5000x16xf32, #tpu.memory_space<vmem>> -> memref<1000x16xf32, #tpu.memory_space<vmem>>
    %dma_wait3A_148 = arith.constant 4000 : i32
    %dma_wait3A_149 = tpu.memref_slice %arg6[%dma_wait3A_148] : memref<5000xi32, #tpu.memory_space<vmem>> -> memref<1000xi32, #tpu.memory_space<vmem>>
    %dma_wait3A_150 = arith.constant 0 : i32
    %dma_wait3A_151 = arith.constant 0 : i32
    %dma_wait3A_152 = tpu.memref_slice %arg10[%dma_wait3A_150, %dma_wait3A_151] : memref<10240x16xf32, #tpu.memory_space<vmem_shared>> -> memref<10240x16xf32, #tpu.memory_space<vmem_shared>>
    tpu.wait_indirect_dma semaphore(%arg15 : memref<!tpu.dma_semaphore, #tpu.memory_space<semaphore_mem>>) src(%dma_wait3A_152 : memref<10240x16xf32, #tpu.memory_space<vmem_shared>>) dst(%dma_wait3A_147 : memref<1000x16xf32, #tpu.memory_space<vmem>>)
    %dma_start3A_153 = arith.constant 4000 : i32
    %dma_start3A_154 = arith.constant 0 : i32
    %dma_start3A_155 = tpu.memref_slice %arg8[%dma_start3A_153, %dma_start3A_154] : memref<5000x16xf32, #tpu.memory_space<vmem>> -> memref<1000x16xf32, #tpu.memory_space<vmem>>
    %dma_start3A_156 = arith.constant 4000 : i32
    %dma_start3A_157 = tpu.memref_slice %arg7[%dma_start3A_156] : memref<5000xi32, #tpu.memory_space<vmem>> -> memref<1000xi32, #tpu.memory_space<vmem>>
    %dma_start3A_158 = arith.constant 0 : i32
    %dma_start3A_159 = arith.constant 0 : i32
    %dma_start3A_160 = tpu.memref_slice %arg9[%dma_start3A_158, %dma_start3A_159] : memref<10240x16xf32, #tpu.memory_space<vmem_shared>> -> memref<10240x16xf32, #tpu.memory_space<vmem_shared>>
    tpu.enqueue_indirect_dma source(%dma_start3A_155 : memref<1000x16xf32, #tpu.memory_space<vmem>>) target(%dma_start3A_160 : memref<10240x16xf32, #tpu.memory_space<vmem_shared>>) offsets(%dma_start3A_157 : memref<1000xi32, #tpu.memory_space<vmem>>) semaphore(%arg16 : memref<!tpu.dma_semaphore, #tpu.memory_space<semaphore_mem>>) {add = true}
    %dma_wait3A_161 = arith.constant 0 : i32
    %dma_wait3A_162 = arith.constant 0 : i32
    %dma_wait3A_163 = tpu.memref_slice %arg8[%dma_wait3A_161, %dma_wait3A_162] : memref<5000x16xf32, #tpu.memory_space<vmem>> -> memref<1000x16xf32, #tpu.memory_space<vmem>>
    %dma_wait3A_164 = arith.constant 0 : i32
    %dma_wait3A_165 = tpu.memref_slice %arg7[%dma_wait3A_164] : memref<5000xi32, #tpu.memory_space<vmem>> -> memref<1000xi32, #tpu.memory_space<vmem>>
    %dma_wait3A_166 = arith.constant 0 : i32
    %dma_wait3A_167 = arith.constant 0 : i32
    %dma_wait3A_168 = tpu.memref_slice %arg9[%dma_wait3A_166, %dma_wait3A_167] : memref<10240x16xf32, #tpu.memory_space<vmem_shared>> -> memref<10240x16xf32, #tpu.memory_space<vmem_shared>>
    tpu.wait_indirect_dma semaphore(%arg16 : memref<!tpu.dma_semaphore, #tpu.memory_space<semaphore_mem>>) src(%dma_wait3A_163 : memref<1000x16xf32, #tpu.memory_space<vmem>>) dst(%dma_wait3A_168 : memref<10240x16xf32, #tpu.memory_space<vmem_shared>>)
    %dma_wait3A_169 = arith.constant 1000 : i32
    %dma_wait3A_170 = arith.constant 0 : i32
    %dma_wait3A_171 = tpu.memref_slice %arg8[%dma_wait3A_169, %dma_wait3A_170] : memref<5000x16xf32, #tpu.memory_space<vmem>> -> memref<1000x16xf32, #tpu.memory_space<vmem>>
    %dma_wait3A_172 = arith.constant 1000 : i32
    %dma_wait3A_173 = tpu.memref_slice %arg7[%dma_wait3A_172] : memref<5000xi32, #tpu.memory_space<vmem>> -> memref<1000xi32, #tpu.memory_space<vmem>>
    %dma_wait3A_174 = arith.constant 0 : i32
    %dma_wait3A_175 = arith.constant 0 : i32
    %dma_wait3A_176 = tpu.memref_slice %arg9[%dma_wait3A_174, %dma_wait3A_175] : memref<10240x16xf32, #tpu.memory_space<vmem_shared>> -> memref<10240x16xf32, #tpu.memory_space<vmem_shared>>
    tpu.wait_indirect_dma semaphore(%arg16 : memref<!tpu.dma_semaphore, #tpu.memory_space<semaphore_mem>>) src(%dma_wait3A_171 : memref<1000x16xf32, #tpu.memory_space<vmem>>) dst(%dma_wait3A_176 : memref<10240x16xf32, #tpu.memory_space<vmem_shared>>)
    %dma_wait3A_177 = arith.constant 2000 : i32
    %dma_wait3A_178 = arith.constant 0 : i32
    %dma_wait3A_179 = tpu.memref_slice %arg8[%dma_wait3A_177, %dma_wait3A_178] : memref<5000x16xf32, #tpu.memory_space<vmem>> -> memref<1000x16xf32, #tpu.memory_space<vmem>>
    %dma_wait3A_180 = arith.constant 2000 : i32
    %dma_wait3A_181 = tpu.memref_slice %arg7[%dma_wait3A_180] : memref<5000xi32, #tpu.memory_space<vmem>> -> memref<1000xi32, #tpu.memory_space<vmem>>
    %dma_wait3A_182 = arith.constant 0 : i32
    %dma_wait3A_183 = arith.constant 0 : i32
    %dma_wait3A_184 = tpu.memref_slice %arg9[%dma_wait3A_182, %dma_wait3A_183] : memref<10240x16xf32, #tpu.memory_space<vmem_shared>> -> memref<10240x16xf32, #tpu.memory_space<vmem_shared>>
    tpu.wait_indirect_dma semaphore(%arg16 : memref<!tpu.dma_semaphore, #tpu.memory_space<semaphore_mem>>) src(%dma_wait3A_179 : memref<1000x16xf32, #tpu.memory_space<vmem>>) dst(%dma_wait3A_184 : memref<10240x16xf32, #tpu.memory_space<vmem_shared>>)
    %dma_wait3A_185 = arith.constant 3000 : i32
    %dma_wait3A_186 = arith.constant 0 : i32
    %dma_wait3A_187 = tpu.memref_slice %arg8[%dma_wait3A_185, %dma_wait3A_186] : memref<5000x16xf32, #tpu.memory_space<vmem>> -> memref<1000x16xf32, #tpu.memory_space<vmem>>
    %dma_wait3A_188 = arith.constant 3000 : i32
    %dma_wait3A_189 = tpu.memref_slice %arg7[%dma_wait3A_188] : memref<5000xi32, #tpu.memory_space<vmem>> -> memref<1000xi32, #tpu.memory_space<vmem>>
    %dma_wait3A_190 = arith.constant 0 : i32
    %dma_wait3A_191 = arith.constant 0 : i32
    %dma_wait3A_192 = tpu.memref_slice %arg9[%dma_wait3A_190, %dma_wait3A_191] : memref<10240x16xf32, #tpu.memory_space<vmem_shared>> -> memref<10240x16xf32, #tpu.memory_space<vmem_shared>>
    tpu.wait_indirect_dma semaphore(%arg16 : memref<!tpu.dma_semaphore, #tpu.memory_space<semaphore_mem>>) src(%dma_wait3A_187 : memref<1000x16xf32, #tpu.memory_space<vmem>>) dst(%dma_wait3A_192 : memref<10240x16xf32, #tpu.memory_space<vmem_shared>>)
    %dma_wait3A_193 = arith.constant 4000 : i32
    %dma_wait3A_194 = arith.constant 0 : i32
    %dma_wait3A_195 = tpu.memref_slice %arg8[%dma_wait3A_193, %dma_wait3A_194] : memref<5000x16xf32, #tpu.memory_space<vmem>> -> memref<1000x16xf32, #tpu.memory_space<vmem>>
    %dma_wait3A_196 = arith.constant 4000 : i32
    %dma_wait3A_197 = tpu.memref_slice %arg7[%dma_wait3A_196] : memref<5000xi32, #tpu.memory_space<vmem>> -> memref<1000xi32, #tpu.memory_space<vmem>>
    %dma_wait3A_198 = arith.constant 0 : i32
    %dma_wait3A_199 = arith.constant 0 : i32
    %dma_wait3A_200 = tpu.memref_slice %arg9[%dma_wait3A_198, %dma_wait3A_199] : memref<10240x16xf32, #tpu.memory_space<vmem_shared>> -> memref<10240x16xf32, #tpu.memory_space<vmem_shared>>
    tpu.wait_indirect_dma semaphore(%arg16 : memref<!tpu.dma_semaphore, #tpu.memory_space<semaphore_mem>>) src(%dma_wait3A_195 : memref<1000x16xf32, #tpu.memory_space<vmem>>) dst(%dma_wait3A_200 : memref<10240x16xf32, #tpu.memory_space<vmem_shared>>)
    %barrier3A_201 = arith.constant 0 : index
    tpu.barrier barrier_id(%barrier3A_201)
    %mul3A_202 = arith.constant 640 : i32
    %mul3A_203 = arith.muli %arg1, %mul3A_202 : i32
    %mul3A_204 = arith.constant 640 : i32
    %mul3A_205 = arith.muli %arg1, %mul3A_204 : i32
    "tpu.region"() ({
      %run_scoped3A = tpu.sem_alloc : memref<!tpu.dma_semaphore, #tpu.memory_space<semaphore_mem>>
      %dma_start3A_206 = arith.constant 0 : i32
      %dma_start3A_207 = tpu.memref_slice %arg5[%arg0, %mul3A_205, %dma_start3A_206] : memref<2x10240x16xf32, #tpu.memory_space<hbm>> -> memref<1x640x16xf32, #tpu.memory_space<hbm>>
      %dma_start3A_208 = tpu.memref_squeeze %dma_start3A_207 : memref<1x640x16xf32, #tpu.memory_space<hbm>> -> memref<640x16xf32, #tpu.memory_space<hbm>>
      %dma_start3A_209 = arith.constant 0 : i32
      %dma_start3A_210 = tpu.memref_slice %arg9[%mul3A_203, %dma_start3A_209] : memref<10240x16xf32, #tpu.memory_space<vmem_shared>> -> memref<640x16xf32, #tpu.memory_space<vmem_shared>>
      tpu.enqueue_dma source(%dma_start3A_210 : memref<640x16xf32, #tpu.memory_space<vmem_shared>>) target(%dma_start3A_208 : memref<640x16xf32, #tpu.memory_space<hbm>>) target_semaphore(%run_scoped3A : memref<!tpu.dma_semaphore, #tpu.memory_space<semaphore_mem>>)
      %dma_wait3A_211 = arith.constant 0 : i32
      %dma_wait3A_212 = tpu.memref_slice %arg5[%arg0, %mul3A_205, %dma_wait3A_211] : memref<2x10240x16xf32, #tpu.memory_space<hbm>> -> memref<1x640x16xf32, #tpu.memory_space<hbm>>
      %dma_wait3A_213 = tpu.memref_squeeze %dma_wait3A_212 : memref<1x640x16xf32, #tpu.memory_space<hbm>> -> memref<640x16xf32, #tpu.memory_space<hbm>>
      %dma_wait3A_214 = arith.constant 0 : i32
      %dma_wait3A_215 = tpu.memref_slice %arg9[%mul3A_203, %dma_wait3A_214] : memref<10240x16xf32, #tpu.memory_space<vmem_shared>> -> memref<640x16xf32, #tpu.memory_space<vmem_shared>>
      tpu.wait_dma2 semaphore(%run_scoped3A : memref<!tpu.dma_semaphore, #tpu.memory_space<semaphore_mem>>) src(%dma_wait3A_215 : memref<640x16xf32, #tpu.memory_space<vmem_shared>>) dst(%dma_wait3A_213 : memref<640x16xf32, #tpu.memory_space<hbm>>)
      tpu.yield
    }) : () -> ()
    return
  }
}

#map = affine_map<(d0, d1) -> (0, 0)>
#map1 = affine_map<(d0, d1) -> (0, 0, 0)>
module attributes {stable_mosaic.version = 14 : i64} {
  func.func @sc_agg(%arg0: i32, %arg1: i32, %arg2: memref<10240x16xf32, #tpu.memory_space<hbm>>, %arg3: memref<2x160000xi32, #tpu.memory_space<hbm>>, %arg4: memref<10240x16xf32, #tpu.memory_space<hbm>>, %arg5: memref<2x10240x16xf32, #tpu.memory_space<hbm>>, %arg6: memref<5000xi32, #tpu.memory_space<vmem>>, %arg7: memref<5000xi32, #tpu.memory_space<vmem>>, %arg8: memref<5000x16xf32, #tpu.memory_space<vmem>>, %arg9: memref<10240x16xf32, #tpu.memory_space<vmem_shared>>, %arg10: memref<10240x16xf32, #tpu.memory_space<vmem_shared>>, %arg11: memref<!tpu.dma_semaphore, #tpu.memory_space<semaphore_mem>>, %arg12: memref<!tpu.dma_semaphore, #tpu.memory_space<semaphore_mem>>, %arg13: memref<!tpu.dma_semaphore, #tpu.memory_space<semaphore_mem>>, %arg14: memref<!tpu.dma_semaphore, #tpu.memory_space<semaphore_mem>>, %arg15: memref<!tpu.dma_semaphore, #tpu.memory_space<semaphore_mem>>, %arg16: memref<!tpu.dma_semaphore, #tpu.memory_space<semaphore_mem>>) attributes {dimension_semantics = [#tpu.dimension_semantics<core_parallel>, #tpu.dimension_semantics<subcore_parallel>], iteration_bounds = array<i64: 2, 16>, scalar_prefetch = 0 : i64, scratch_operands = 11 : i64, tpu.core_type = #tpu.core_type<sc_vector_subcore>, window_params = [{transform_indices = #map}, {transform_indices = #map}, {transform_indices = #map}, {transform_indices = #map1}]} {
    %mul3A = arith.constant 2 : i32
    %mul3A_0 = arith.muli %arg1, %mul3A : i32
    %add3A = arith.addi %mul3A_0, %arg0 : i32
    %mul3A_1 = arith.constant 5000 : i32
    %mul3A_2 = arith.muli %add3A, %mul3A_1 : i32
    %mul3A_3 = arith.constant 640 : i32
    %mul3A_4 = arith.muli %arg1, %mul3A_3 : i32
    %mul3A_5 = arith.constant 640 : i32
    %mul3A_6 = arith.muli %arg1, %mul3A_5 : i32
    %dma_start3A = arith.constant 0 : i32
    %dma_start3A_7 = tpu.memref_slice %arg3[%dma_start3A, %mul3A_2] : memref<2x160000xi32, #tpu.memory_space<hbm>> -> memref<1x5000xi32, #tpu.memory_space<hbm>>
    %dma_start3A_8 = tpu.memref_squeeze %dma_start3A_7 : memref<1x5000xi32, #tpu.memory_space<hbm>> -> memref<5000xi32, #tpu.memory_space<hbm>>
    %dma_start3A_9 = tpu.memref_slice %arg3[%dma_start3A, %mul3A_2] : memref<2x160000xi32, #tpu.memory_space<hbm>> -> memref<1x5000xi32, #tpu.memory_space<hbm>>
    %dma_start3A_10 = tpu.memref_squeeze %dma_start3A_9 : memref<1x5000xi32, #tpu.memory_space<hbm>> -> memref<5000xi32, #tpu.memory_space<hbm>>
    tpu.enqueue_dma source(%dma_start3A_10 : memref<5000xi32, #tpu.memory_space<hbm>>) target(%arg6 : memref<5000xi32, #tpu.memory_space<vmem>>) target_semaphore(%arg11 : memref<!tpu.dma_semaphore, #tpu.memory_space<semaphore_mem>>)
    %dma_start3A_11 = arith.constant 1 : i32
    %dma_start3A_12 = tpu.memref_slice %arg3[%dma_start3A_11, %mul3A_2] : memref<2x160000xi32, #tpu.memory_space<hbm>> -> memref<1x5000xi32, #tpu.memory_space<hbm>>
    %dma_start3A_13 = tpu.memref_squeeze %dma_start3A_12 : memref<1x5000xi32, #tpu.memory_space<hbm>> -> memref<5000xi32, #tpu.memory_space<hbm>>
    %dma_start3A_14 = tpu.memref_slice %arg3[%dma_start3A_11, %mul3A_2] : memref<2x160000xi32, #tpu.memory_space<hbm>> -> memref<1x5000xi32, #tpu.memory_space<hbm>>
    %dma_start3A_15 = tpu.memref_squeeze %dma_start3A_14 : memref<1x5000xi32, #tpu.memory_space<hbm>> -> memref<5000xi32, #tpu.memory_space<hbm>>
    tpu.enqueue_dma source(%dma_start3A_15 : memref<5000xi32, #tpu.memory_space<hbm>>) target(%arg7 : memref<5000xi32, #tpu.memory_space<vmem>>) target_semaphore(%arg12 : memref<!tpu.dma_semaphore, #tpu.memory_space<semaphore_mem>>)
    %dma_start3A_16 = arith.constant 0 : i32
    %dma_start3A_17 = tpu.memref_slice %arg10[%mul3A_6, %dma_start3A_16] : memref<10240x16xf32, #tpu.memory_space<vmem_shared>> -> memref<640x16xf32, #tpu.memory_space<vmem_shared>>
    %dma_start3A_18 = arith.constant 0 : i32
    %dma_start3A_19 = tpu.memref_slice %arg2[%mul3A_6, %dma_start3A_18] : memref<10240x16xf32, #tpu.memory_space<hbm>> -> memref<640x16xf32, #tpu.memory_space<hbm>>
    tpu.enqueue_dma source(%dma_start3A_19 : memref<640x16xf32, #tpu.memory_space<hbm>>) target(%dma_start3A_17 : memref<640x16xf32, #tpu.memory_space<vmem_shared>>) target_semaphore(%arg16 : memref<!tpu.dma_semaphore, #tpu.memory_space<semaphore_mem>>)
    %dma_start3A_20 = arith.constant 0 : i32
    %dma_start3A_21 = tpu.memref_slice %arg9[%mul3A_4, %dma_start3A_20] : memref<10240x16xf32, #tpu.memory_space<vmem_shared>> -> memref<640x16xf32, #tpu.memory_space<vmem_shared>>
    %dma_start3A_22 = arith.constant 0 : i32
    %dma_start3A_23 = tpu.memref_slice %arg4[%mul3A_4, %dma_start3A_22] : memref<10240x16xf32, #tpu.memory_space<hbm>> -> memref<640x16xf32, #tpu.memory_space<hbm>>
    tpu.enqueue_dma source(%dma_start3A_23 : memref<640x16xf32, #tpu.memory_space<hbm>>) target(%dma_start3A_21 : memref<640x16xf32, #tpu.memory_space<vmem_shared>>) target_semaphore(%arg16 : memref<!tpu.dma_semaphore, #tpu.memory_space<semaphore_mem>>)
    %dma_wait3A = arith.constant 0 : i32
    %dma_wait3A_24 = tpu.memref_slice %arg10[%mul3A_6, %dma_wait3A] : memref<10240x16xf32, #tpu.memory_space<vmem_shared>> -> memref<640x16xf32, #tpu.memory_space<vmem_shared>>
    %dma_wait3A_25 = arith.constant 0 : i32
    %dma_wait3A_26 = tpu.memref_slice %arg2[%mul3A_6, %dma_wait3A_25] : memref<10240x16xf32, #tpu.memory_space<hbm>> -> memref<640x16xf32, #tpu.memory_space<hbm>>
    tpu.wait_dma2 semaphore(%arg16 : memref<!tpu.dma_semaphore, #tpu.memory_space<semaphore_mem>>) src(%dma_wait3A_26 : memref<640x16xf32, #tpu.memory_space<hbm>>) dst(%dma_wait3A_24 : memref<640x16xf32, #tpu.memory_space<vmem_shared>>)
    %dma_wait3A_27 = arith.constant 0 : i32
    %dma_wait3A_28 = tpu.memref_slice %arg9[%mul3A_4, %dma_wait3A_27] : memref<10240x16xf32, #tpu.memory_space<vmem_shared>> -> memref<640x16xf32, #tpu.memory_space<vmem_shared>>
    %dma_wait3A_29 = arith.constant 0 : i32
    %dma_wait3A_30 = tpu.memref_slice %arg4[%mul3A_4, %dma_wait3A_29] : memref<10240x16xf32, #tpu.memory_space<hbm>> -> memref<640x16xf32, #tpu.memory_space<hbm>>
    tpu.wait_dma2 semaphore(%arg16 : memref<!tpu.dma_semaphore, #tpu.memory_space<semaphore_mem>>) src(%dma_wait3A_30 : memref<640x16xf32, #tpu.memory_space<hbm>>) dst(%dma_wait3A_28 : memref<640x16xf32, #tpu.memory_space<vmem_shared>>)
    %barrier3A = arith.constant 0 : index
    tpu.barrier barrier_id(%barrier3A)
    %dma_wait3A_31 = arith.constant 0 : i32
    %dma_wait3A_32 = tpu.memref_slice %arg3[%dma_wait3A_31, %mul3A_2] : memref<2x160000xi32, #tpu.memory_space<hbm>> -> memref<1x5000xi32, #tpu.memory_space<hbm>>
    %dma_wait3A_33 = tpu.memref_squeeze %dma_wait3A_32 : memref<1x5000xi32, #tpu.memory_space<hbm>> -> memref<5000xi32, #tpu.memory_space<hbm>>
    %dma_wait3A_34 = tpu.memref_slice %arg3[%dma_wait3A_31, %mul3A_2] : memref<2x160000xi32, #tpu.memory_space<hbm>> -> memref<1x5000xi32, #tpu.memory_space<hbm>>
    %dma_wait3A_35 = tpu.memref_squeeze %dma_wait3A_34 : memref<1x5000xi32, #tpu.memory_space<hbm>> -> memref<5000xi32, #tpu.memory_space<hbm>>
    tpu.wait_dma2 semaphore(%arg11 : memref<!tpu.dma_semaphore, #tpu.memory_space<semaphore_mem>>) src(%dma_wait3A_35 : memref<5000xi32, #tpu.memory_space<hbm>>) dst(%arg6 : memref<5000xi32, #tpu.memory_space<vmem>>)
    %dma_wait3A_36 = arith.constant 1 : i32
    %dma_wait3A_37 = tpu.memref_slice %arg3[%dma_wait3A_36, %mul3A_2] : memref<2x160000xi32, #tpu.memory_space<hbm>> -> memref<1x5000xi32, #tpu.memory_space<hbm>>
    %dma_wait3A_38 = tpu.memref_squeeze %dma_wait3A_37 : memref<1x5000xi32, #tpu.memory_space<hbm>> -> memref<5000xi32, #tpu.memory_space<hbm>>
    %dma_wait3A_39 = tpu.memref_slice %arg3[%dma_wait3A_36, %mul3A_2] : memref<2x160000xi32, #tpu.memory_space<hbm>> -> memref<1x5000xi32, #tpu.memory_space<hbm>>
    %dma_wait3A_40 = tpu.memref_squeeze %dma_wait3A_39 : memref<1x5000xi32, #tpu.memory_space<hbm>> -> memref<5000xi32, #tpu.memory_space<hbm>>
    tpu.wait_dma2 semaphore(%arg12 : memref<!tpu.dma_semaphore, #tpu.memory_space<semaphore_mem>>) src(%dma_wait3A_40 : memref<5000xi32, #tpu.memory_space<hbm>>) dst(%arg7 : memref<5000xi32, #tpu.memory_space<vmem>>)
    %dma_start3A_41 = arith.constant 0 : i32
    %dma_start3A_42 = arith.constant 0 : i32
    %dma_start3A_43 = tpu.memref_slice %arg8[%dma_start3A_41, %dma_start3A_42] : memref<5000x16xf32, #tpu.memory_space<vmem>> -> memref<1000x16xf32, #tpu.memory_space<vmem>>
    %dma_start3A_44 = arith.constant 0 : i32
    %dma_start3A_45 = tpu.memref_slice %arg6[%dma_start3A_44] : memref<5000xi32, #tpu.memory_space<vmem>> -> memref<1000xi32, #tpu.memory_space<vmem>>
    %dma_start3A_46 = arith.constant 0 : i32
    %dma_start3A_47 = arith.constant 0 : i32
    %dma_start3A_48 = tpu.memref_slice %arg10[%dma_start3A_46, %dma_start3A_47] : memref<10240x16xf32, #tpu.memory_space<vmem_shared>> -> memref<10240x16xf32, #tpu.memory_space<vmem_shared>>
    tpu.enqueue_indirect_dma source(%dma_start3A_48 : memref<10240x16xf32, #tpu.memory_space<vmem_shared>>) target(%dma_start3A_43 : memref<1000x16xf32, #tpu.memory_space<vmem>>) offsets(%dma_start3A_45 : memref<1000xi32, #tpu.memory_space<vmem>>) semaphore(%arg11 : memref<!tpu.dma_semaphore, #tpu.memory_space<semaphore_mem>>)
    %dma_start3A_49 = arith.constant 1000 : i32
    %dma_start3A_50 = arith.constant 0 : i32
    %dma_start3A_51 = tpu.memref_slice %arg8[%dma_start3A_49, %dma_start3A_50] : memref<5000x16xf32, #tpu.memory_space<vmem>> -> memref<1000x16xf32, #tpu.memory_space<vmem>>
    %dma_start3A_52 = arith.constant 1000 : i32
    %dma_start3A_53 = tpu.memref_slice %arg6[%dma_start3A_52] : memref<5000xi32, #tpu.memory_space<vmem>> -> memref<1000xi32, #tpu.memory_space<vmem>>
    %dma_start3A_54 = arith.constant 0 : i32
    %dma_start3A_55 = arith.constant 0 : i32
    %dma_start3A_56 = tpu.memref_slice %arg10[%dma_start3A_54, %dma_start3A_55] : memref<10240x16xf32, #tpu.memory_space<vmem_shared>> -> memref<10240x16xf32, #tpu.memory_space<vmem_shared>>
    tpu.enqueue_indirect_dma source(%dma_start3A_56 : memref<10240x16xf32, #tpu.memory_space<vmem_shared>>) target(%dma_start3A_51 : memref<1000x16xf32, #tpu.memory_space<vmem>>) offsets(%dma_start3A_53 : memref<1000xi32, #tpu.memory_space<vmem>>) semaphore(%arg12 : memref<!tpu.dma_semaphore, #tpu.memory_space<semaphore_mem>>)
    %dma_start3A_57 = arith.constant 2000 : i32
    %dma_start3A_58 = arith.constant 0 : i32
    %dma_start3A_59 = tpu.memref_slice %arg8[%dma_start3A_57, %dma_start3A_58] : memref<5000x16xf32, #tpu.memory_space<vmem>> -> memref<1000x16xf32, #tpu.memory_space<vmem>>
    %dma_start3A_60 = arith.constant 2000 : i32
    %dma_start3A_61 = tpu.memref_slice %arg6[%dma_start3A_60] : memref<5000xi32, #tpu.memory_space<vmem>> -> memref<1000xi32, #tpu.memory_space<vmem>>
    %dma_start3A_62 = arith.constant 0 : i32
    %dma_start3A_63 = arith.constant 0 : i32
    %dma_start3A_64 = tpu.memref_slice %arg10[%dma_start3A_62, %dma_start3A_63] : memref<10240x16xf32, #tpu.memory_space<vmem_shared>> -> memref<10240x16xf32, #tpu.memory_space<vmem_shared>>
    tpu.enqueue_indirect_dma source(%dma_start3A_64 : memref<10240x16xf32, #tpu.memory_space<vmem_shared>>) target(%dma_start3A_59 : memref<1000x16xf32, #tpu.memory_space<vmem>>) offsets(%dma_start3A_61 : memref<1000xi32, #tpu.memory_space<vmem>>) semaphore(%arg13 : memref<!tpu.dma_semaphore, #tpu.memory_space<semaphore_mem>>)
    %dma_start3A_65 = arith.constant 3000 : i32
    %dma_start3A_66 = arith.constant 0 : i32
    %dma_start3A_67 = tpu.memref_slice %arg8[%dma_start3A_65, %dma_start3A_66] : memref<5000x16xf32, #tpu.memory_space<vmem>> -> memref<1000x16xf32, #tpu.memory_space<vmem>>
    %dma_start3A_68 = arith.constant 3000 : i32
    %dma_start3A_69 = tpu.memref_slice %arg6[%dma_start3A_68] : memref<5000xi32, #tpu.memory_space<vmem>> -> memref<1000xi32, #tpu.memory_space<vmem>>
    %dma_start3A_70 = arith.constant 0 : i32
    %dma_start3A_71 = arith.constant 0 : i32
    %dma_start3A_72 = tpu.memref_slice %arg10[%dma_start3A_70, %dma_start3A_71] : memref<10240x16xf32, #tpu.memory_space<vmem_shared>> -> memref<10240x16xf32, #tpu.memory_space<vmem_shared>>
    tpu.enqueue_indirect_dma source(%dma_start3A_72 : memref<10240x16xf32, #tpu.memory_space<vmem_shared>>) target(%dma_start3A_67 : memref<1000x16xf32, #tpu.memory_space<vmem>>) offsets(%dma_start3A_69 : memref<1000xi32, #tpu.memory_space<vmem>>) semaphore(%arg14 : memref<!tpu.dma_semaphore, #tpu.memory_space<semaphore_mem>>)
    %dma_start3A_73 = arith.constant 4000 : i32
    %dma_start3A_74 = arith.constant 0 : i32
    %dma_start3A_75 = tpu.memref_slice %arg8[%dma_start3A_73, %dma_start3A_74] : memref<5000x16xf32, #tpu.memory_space<vmem>> -> memref<1000x16xf32, #tpu.memory_space<vmem>>
    %dma_start3A_76 = arith.constant 4000 : i32
    %dma_start3A_77 = tpu.memref_slice %arg6[%dma_start3A_76] : memref<5000xi32, #tpu.memory_space<vmem>> -> memref<1000xi32, #tpu.memory_space<vmem>>
    %dma_start3A_78 = arith.constant 0 : i32
    %dma_start3A_79 = arith.constant 0 : i32
    %dma_start3A_80 = tpu.memref_slice %arg10[%dma_start3A_78, %dma_start3A_79] : memref<10240x16xf32, #tpu.memory_space<vmem_shared>> -> memref<10240x16xf32, #tpu.memory_space<vmem_shared>>
    tpu.enqueue_indirect_dma source(%dma_start3A_80 : memref<10240x16xf32, #tpu.memory_space<vmem_shared>>) target(%dma_start3A_75 : memref<1000x16xf32, #tpu.memory_space<vmem>>) offsets(%dma_start3A_77 : memref<1000xi32, #tpu.memory_space<vmem>>) semaphore(%arg15 : memref<!tpu.dma_semaphore, #tpu.memory_space<semaphore_mem>>)
    %dma_wait3A_81 = arith.constant 0 : i32
    %dma_wait3A_82 = arith.constant 0 : i32
    %dma_wait3A_83 = tpu.memref_slice %arg8[%dma_wait3A_81, %dma_wait3A_82] : memref<5000x16xf32, #tpu.memory_space<vmem>> -> memref<1000x16xf32, #tpu.memory_space<vmem>>
    %dma_wait3A_84 = arith.constant 0 : i32
    %dma_wait3A_85 = tpu.memref_slice %arg6[%dma_wait3A_84] : memref<5000xi32, #tpu.memory_space<vmem>> -> memref<1000xi32, #tpu.memory_space<vmem>>
    %dma_wait3A_86 = arith.constant 0 : i32
    %dma_wait3A_87 = arith.constant 0 : i32
    %dma_wait3A_88 = tpu.memref_slice %arg10[%dma_wait3A_86, %dma_wait3A_87] : memref<10240x16xf32, #tpu.memory_space<vmem_shared>> -> memref<10240x16xf32, #tpu.memory_space<vmem_shared>>
    tpu.wait_indirect_dma semaphore(%arg11 : memref<!tpu.dma_semaphore, #tpu.memory_space<semaphore_mem>>) src(%dma_wait3A_88 : memref<10240x16xf32, #tpu.memory_space<vmem_shared>>) dst(%dma_wait3A_83 : memref<1000x16xf32, #tpu.memory_space<vmem>>)
    %dma_start3A_89 = arith.constant 0 : i32
    %dma_start3A_90 = arith.constant 0 : i32
    %dma_start3A_91 = tpu.memref_slice %arg8[%dma_start3A_89, %dma_start3A_90] : memref<5000x16xf32, #tpu.memory_space<vmem>> -> memref<1000x16xf32, #tpu.memory_space<vmem>>
    %dma_start3A_92 = arith.constant 0 : i32
    %dma_start3A_93 = tpu.memref_slice %arg7[%dma_start3A_92] : memref<5000xi32, #tpu.memory_space<vmem>> -> memref<1000xi32, #tpu.memory_space<vmem>>
    %dma_start3A_94 = arith.constant 0 : i32
    %dma_start3A_95 = arith.constant 0 : i32
    %dma_start3A_96 = tpu.memref_slice %arg9[%dma_start3A_94, %dma_start3A_95] : memref<10240x16xf32, #tpu.memory_space<vmem_shared>> -> memref<10240x16xf32, #tpu.memory_space<vmem_shared>>
    tpu.enqueue_indirect_dma source(%dma_start3A_91 : memref<1000x16xf32, #tpu.memory_space<vmem>>) target(%dma_start3A_96 : memref<10240x16xf32, #tpu.memory_space<vmem_shared>>) offsets(%dma_start3A_93 : memref<1000xi32, #tpu.memory_space<vmem>>) semaphore(%arg16 : memref<!tpu.dma_semaphore, #tpu.memory_space<semaphore_mem>>) {add = true}
    %dma_wait3A_97 = arith.constant 1000 : i32
    %dma_wait3A_98 = arith.constant 0 : i32
    %dma_wait3A_99 = tpu.memref_slice %arg8[%dma_wait3A_97, %dma_wait3A_98] : memref<5000x16xf32, #tpu.memory_space<vmem>> -> memref<1000x16xf32, #tpu.memory_space<vmem>>
    %dma_wait3A_100 = arith.constant 1000 : i32
    %dma_wait3A_101 = tpu.memref_slice %arg6[%dma_wait3A_100] : memref<5000xi32, #tpu.memory_space<vmem>> -> memref<1000xi32, #tpu.memory_space<vmem>>
    %dma_wait3A_102 = arith.constant 0 : i32
    %dma_wait3A_103 = arith.constant 0 : i32
    %dma_wait3A_104 = tpu.memref_slice %arg10[%dma_wait3A_102, %dma_wait3A_103] : memref<10240x16xf32, #tpu.memory_space<vmem_shared>> -> memref<10240x16xf32, #tpu.memory_space<vmem_shared>>
    tpu.wait_indirect_dma semaphore(%arg12 : memref<!tpu.dma_semaphore, #tpu.memory_space<semaphore_mem>>) src(%dma_wait3A_104 : memref<10240x16xf32, #tpu.memory_space<vmem_shared>>) dst(%dma_wait3A_99 : memref<1000x16xf32, #tpu.memory_space<vmem>>)
    %dma_start3A_105 = arith.constant 1000 : i32
    %dma_start3A_106 = arith.constant 0 : i32
    %dma_start3A_107 = tpu.memref_slice %arg8[%dma_start3A_105, %dma_start3A_106] : memref<5000x16xf32, #tpu.memory_space<vmem>> -> memref<1000x16xf32, #tpu.memory_space<vmem>>
    %dma_start3A_108 = arith.constant 1000 : i32
    %dma_start3A_109 = tpu.memref_slice %arg7[%dma_start3A_108] : memref<5000xi32, #tpu.memory_space<vmem>> -> memref<1000xi32, #tpu.memory_space<vmem>>
    %dma_start3A_110 = arith.constant 0 : i32
    %dma_start3A_111 = arith.constant 0 : i32
    %dma_start3A_112 = tpu.memref_slice %arg9[%dma_start3A_110, %dma_start3A_111] : memref<10240x16xf32, #tpu.memory_space<vmem_shared>> -> memref<10240x16xf32, #tpu.memory_space<vmem_shared>>
    tpu.enqueue_indirect_dma source(%dma_start3A_107 : memref<1000x16xf32, #tpu.memory_space<vmem>>) target(%dma_start3A_112 : memref<10240x16xf32, #tpu.memory_space<vmem_shared>>) offsets(%dma_start3A_109 : memref<1000xi32, #tpu.memory_space<vmem>>) semaphore(%arg16 : memref<!tpu.dma_semaphore, #tpu.memory_space<semaphore_mem>>) {add = true}
    %dma_wait3A_113 = arith.constant 2000 : i32
    %dma_wait3A_114 = arith.constant 0 : i32
    %dma_wait3A_115 = tpu.memref_slice %arg8[%dma_wait3A_113, %dma_wait3A_114] : memref<5000x16xf32, #tpu.memory_space<vmem>> -> memref<1000x16xf32, #tpu.memory_space<vmem>>
    %dma_wait3A_116 = arith.constant 2000 : i32
    %dma_wait3A_117 = tpu.memref_slice %arg6[%dma_wait3A_116] : memref<5000xi32, #tpu.memory_space<vmem>> -> memref<1000xi32, #tpu.memory_space<vmem>>
    %dma_wait3A_118 = arith.constant 0 : i32
    %dma_wait3A_119 = arith.constant 0 : i32
    %dma_wait3A_120 = tpu.memref_slice %arg10[%dma_wait3A_118, %dma_wait3A_119] : memref<10240x16xf32, #tpu.memory_space<vmem_shared>> -> memref<10240x16xf32, #tpu.memory_space<vmem_shared>>
    tpu.wait_indirect_dma semaphore(%arg13 : memref<!tpu.dma_semaphore, #tpu.memory_space<semaphore_mem>>) src(%dma_wait3A_120 : memref<10240x16xf32, #tpu.memory_space<vmem_shared>>) dst(%dma_wait3A_115 : memref<1000x16xf32, #tpu.memory_space<vmem>>)
    %dma_start3A_121 = arith.constant 2000 : i32
    %dma_start3A_122 = arith.constant 0 : i32
    %dma_start3A_123 = tpu.memref_slice %arg8[%dma_start3A_121, %dma_start3A_122] : memref<5000x16xf32, #tpu.memory_space<vmem>> -> memref<1000x16xf32, #tpu.memory_space<vmem>>
    %dma_start3A_124 = arith.constant 2000 : i32
    %dma_start3A_125 = tpu.memref_slice %arg7[%dma_start3A_124] : memref<5000xi32, #tpu.memory_space<vmem>> -> memref<1000xi32, #tpu.memory_space<vmem>>
    %dma_start3A_126 = arith.constant 0 : i32
    %dma_start3A_127 = arith.constant 0 : i32
    %dma_start3A_128 = tpu.memref_slice %arg9[%dma_start3A_126, %dma_start3A_127] : memref<10240x16xf32, #tpu.memory_space<vmem_shared>> -> memref<10240x16xf32, #tpu.memory_space<vmem_shared>>
    tpu.enqueue_indirect_dma source(%dma_start3A_123 : memref<1000x16xf32, #tpu.memory_space<vmem>>) target(%dma_start3A_128 : memref<10240x16xf32, #tpu.memory_space<vmem_shared>>) offsets(%dma_start3A_125 : memref<1000xi32, #tpu.memory_space<vmem>>) semaphore(%arg16 : memref<!tpu.dma_semaphore, #tpu.memory_space<semaphore_mem>>) {add = true}
    %dma_wait3A_129 = arith.constant 3000 : i32
    %dma_wait3A_130 = arith.constant 0 : i32
    %dma_wait3A_131 = tpu.memref_slice %arg8[%dma_wait3A_129, %dma_wait3A_130] : memref<5000x16xf32, #tpu.memory_space<vmem>> -> memref<1000x16xf32, #tpu.memory_space<vmem>>
    %dma_wait3A_132 = arith.constant 3000 : i32
    %dma_wait3A_133 = tpu.memref_slice %arg6[%dma_wait3A_132] : memref<5000xi32, #tpu.memory_space<vmem>> -> memref<1000xi32, #tpu.memory_space<vmem>>
    %dma_wait3A_134 = arith.constant 0 : i32
    %dma_wait3A_135 = arith.constant 0 : i32
    %dma_wait3A_136 = tpu.memref_slice %arg10[%dma_wait3A_134, %dma_wait3A_135] : memref<10240x16xf32, #tpu.memory_space<vmem_shared>> -> memref<10240x16xf32, #tpu.memory_space<vmem_shared>>
    tpu.wait_indirect_dma semaphore(%arg14 : memref<!tpu.dma_semaphore, #tpu.memory_space<semaphore_mem>>) src(%dma_wait3A_136 : memref<10240x16xf32, #tpu.memory_space<vmem_shared>>) dst(%dma_wait3A_131 : memref<1000x16xf32, #tpu.memory_space<vmem>>)
    %dma_start3A_137 = arith.constant 3000 : i32
    %dma_start3A_138 = arith.constant 0 : i32
    %dma_start3A_139 = tpu.memref_slice %arg8[%dma_start3A_137, %dma_start3A_138] : memref<5000x16xf32, #tpu.memory_space<vmem>> -> memref<1000x16xf32, #tpu.memory_space<vmem>>
    %dma_start3A_140 = arith.constant 3000 : i32
    %dma_start3A_141 = tpu.memref_slice %arg7[%dma_start3A_140] : memref<5000xi32, #tpu.memory_space<vmem>> -> memref<1000xi32, #tpu.memory_space<vmem>>
    %dma_start3A_142 = arith.constant 0 : i32
    %dma_start3A_143 = arith.constant 0 : i32
    %dma_start3A_144 = tpu.memref_slice %arg9[%dma_start3A_142, %dma_start3A_143] : memref<10240x16xf32, #tpu.memory_space<vmem_shared>> -> memref<10240x16xf32, #tpu.memory_space<vmem_shared>>
    tpu.enqueue_indirect_dma source(%dma_start3A_139 : memref<1000x16xf32, #tpu.memory_space<vmem>>) target(%dma_start3A_144 : memref<10240x16xf32, #tpu.memory_space<vmem_shared>>) offsets(%dma_start3A_141 : memref<1000xi32, #tpu.memory_space<vmem>>) semaphore(%arg16 : memref<!tpu.dma_semaphore, #tpu.memory_space<semaphore_mem>>) {add = true}
    %dma_wait3A_145 = arith.constant 4000 : i32
    %dma_wait3A_146 = arith.constant 0 : i32
    %dma_wait3A_147 = tpu.memref_slice %arg8[%dma_wait3A_145, %dma_wait3A_146] : memref<5000x16xf32, #tpu.memory_space<vmem>> -> memref<1000x16xf32, #tpu.memory_space<vmem>>
    %dma_wait3A_148 = arith.constant 4000 : i32
    %dma_wait3A_149 = tpu.memref_slice %arg6[%dma_wait3A_148] : memref<5000xi32, #tpu.memory_space<vmem>> -> memref<1000xi32, #tpu.memory_space<vmem>>
    %dma_wait3A_150 = arith.constant 0 : i32
    %dma_wait3A_151 = arith.constant 0 : i32
    %dma_wait3A_152 = tpu.memref_slice %arg10[%dma_wait3A_150, %dma_wait3A_151] : memref<10240x16xf32, #tpu.memory_space<vmem_shared>> -> memref<10240x16xf32, #tpu.memory_space<vmem_shared>>
    tpu.wait_indirect_dma semaphore(%arg15 : memref<!tpu.dma_semaphore, #tpu.memory_space<semaphore_mem>>) src(%dma_wait3A_152 : memref<10240x16xf32, #tpu.memory_space<vmem_shared>>) dst(%dma_wait3A_147 : memref<1000x16xf32, #tpu.memory_space<vmem>>)
    %dma_start3A_153 = arith.constant 4000 : i32
    %dma_start3A_154 = arith.constant 0 : i32
    %dma_start3A_155 = tpu.memref_slice %arg8[%dma_start3A_153, %dma_start3A_154] : memref<5000x16xf32, #tpu.memory_space<vmem>> -> memref<1000x16xf32, #tpu.memory_space<vmem>>
    %dma_start3A_156 = arith.constant 4000 : i32
    %dma_start3A_157 = tpu.memref_slice %arg7[%dma_start3A_156] : memref<5000xi32, #tpu.memory_space<vmem>> -> memref<1000xi32, #tpu.memory_space<vmem>>
    %dma_start3A_158 = arith.constant 0 : i32
    %dma_start3A_159 = arith.constant 0 : i32
    %dma_start3A_160 = tpu.memref_slice %arg9[%dma_start3A_158, %dma_start3A_159] : memref<10240x16xf32, #tpu.memory_space<vmem_shared>> -> memref<10240x16xf32, #tpu.memory_space<vmem_shared>>
    tpu.enqueue_indirect_dma source(%dma_start3A_155 : memref<1000x16xf32, #tpu.memory_space<vmem>>) target(%dma_start3A_160 : memref<10240x16xf32, #tpu.memory_space<vmem_shared>>) offsets(%dma_start3A_157 : memref<1000xi32, #tpu.memory_space<vmem>>) semaphore(%arg16 : memref<!tpu.dma_semaphore, #tpu.memory_space<semaphore_mem>>) {add = true}
    %dma_wait3A_161 = arith.constant 0 : i32
    %dma_wait3A_162 = arith.constant 0 : i32
    %dma_wait3A_163 = tpu.memref_slice %arg8[%dma_wait3A_161, %dma_wait3A_162] : memref<5000x16xf32, #tpu.memory_space<vmem>> -> memref<1000x16xf32, #tpu.memory_space<vmem>>
    %dma_wait3A_164 = arith.constant 0 : i32
    %dma_wait3A_165 = tpu.memref_slice %arg7[%dma_wait3A_164] : memref<5000xi32, #tpu.memory_space<vmem>> -> memref<1000xi32, #tpu.memory_space<vmem>>
    %dma_wait3A_166 = arith.constant 0 : i32
    %dma_wait3A_167 = arith.constant 0 : i32
    %dma_wait3A_168 = tpu.memref_slice %arg9[%dma_wait3A_166, %dma_wait3A_167] : memref<10240x16xf32, #tpu.memory_space<vmem_shared>> -> memref<10240x16xf32, #tpu.memory_space<vmem_shared>>
    tpu.wait_indirect_dma semaphore(%arg16 : memref<!tpu.dma_semaphore, #tpu.memory_space<semaphore_mem>>) src(%dma_wait3A_163 : memref<1000x16xf32, #tpu.memory_space<vmem>>) dst(%dma_wait3A_168 : memref<10240x16xf32, #tpu.memory_space<vmem_shared>>)
    %dma_wait3A_169 = arith.constant 1000 : i32
    %dma_wait3A_170 = arith.constant 0 : i32
    %dma_wait3A_171 = tpu.memref_slice %arg8[%dma_wait3A_169, %dma_wait3A_170] : memref<5000x16xf32, #tpu.memory_space<vmem>> -> memref<1000x16xf32, #tpu.memory_space<vmem>>
    %dma_wait3A_172 = arith.constant 1000 : i32
    %dma_wait3A_173 = tpu.memref_slice %arg7[%dma_wait3A_172] : memref<5000xi32, #tpu.memory_space<vmem>> -> memref<1000xi32, #tpu.memory_space<vmem>>
    %dma_wait3A_174 = arith.constant 0 : i32
    %dma_wait3A_175 = arith.constant 0 : i32
    %dma_wait3A_176 = tpu.memref_slice %arg9[%dma_wait3A_174, %dma_wait3A_175] : memref<10240x16xf32, #tpu.memory_space<vmem_shared>> -> memref<10240x16xf32, #tpu.memory_space<vmem_shared>>
    tpu.wait_indirect_dma semaphore(%arg16 : memref<!tpu.dma_semaphore, #tpu.memory_space<semaphore_mem>>) src(%dma_wait3A_171 : memref<1000x16xf32, #tpu.memory_space<vmem>>) dst(%dma_wait3A_176 : memref<10240x16xf32, #tpu.memory_space<vmem_shared>>)
    %dma_wait3A_177 = arith.constant 2000 : i32
    %dma_wait3A_178 = arith.constant 0 : i32
    %dma_wait3A_179 = tpu.memref_slice %arg8[%dma_wait3A_177, %dma_wait3A_178] : memref<5000x16xf32, #tpu.memory_space<vmem>> -> memref<1000x16xf32, #tpu.memory_space<vmem>>
    %dma_wait3A_180 = arith.constant 2000 : i32
    %dma_wait3A_181 = tpu.memref_slice %arg7[%dma_wait3A_180] : memref<5000xi32, #tpu.memory_space<vmem>> -> memref<1000xi32, #tpu.memory_space<vmem>>
    %dma_wait3A_182 = arith.constant 0 : i32
    %dma_wait3A_183 = arith.constant 0 : i32
    %dma_wait3A_184 = tpu.memref_slice %arg9[%dma_wait3A_182, %dma_wait3A_183] : memref<10240x16xf32, #tpu.memory_space<vmem_shared>> -> memref<10240x16xf32, #tpu.memory_space<vmem_shared>>
    tpu.wait_indirect_dma semaphore(%arg16 : memref<!tpu.dma_semaphore, #tpu.memory_space<semaphore_mem>>) src(%dma_wait3A_179 : memref<1000x16xf32, #tpu.memory_space<vmem>>) dst(%dma_wait3A_184 : memref<10240x16xf32, #tpu.memory_space<vmem_shared>>)
    %dma_wait3A_185 = arith.constant 3000 : i32
    %dma_wait3A_186 = arith.constant 0 : i32
    %dma_wait3A_187 = tpu.memref_slice %arg8[%dma_wait3A_185, %dma_wait3A_186] : memref<5000x16xf32, #tpu.memory_space<vmem>> -> memref<1000x16xf32, #tpu.memory_space<vmem>>
    %dma_wait3A_188 = arith.constant 3000 : i32
    %dma_wait3A_189 = tpu.memref_slice %arg7[%dma_wait3A_188] : memref<5000xi32, #tpu.memory_space<vmem>> -> memref<1000xi32, #tpu.memory_space<vmem>>
    %dma_wait3A_190 = arith.constant 0 : i32
    %dma_wait3A_191 = arith.constant 0 : i32
    %dma_wait3A_192 = tpu.memref_slice %arg9[%dma_wait3A_190, %dma_wait3A_191] : memref<10240x16xf32, #tpu.memory_space<vmem_shared>> -> memref<10240x16xf32, #tpu.memory_space<vmem_shared>>
    tpu.wait_indirect_dma semaphore(%arg16 : memref<!tpu.dma_semaphore, #tpu.memory_space<semaphore_mem>>) src(%dma_wait3A_187 : memref<1000x16xf32, #tpu.memory_space<vmem>>) dst(%dma_wait3A_192 : memref<10240x16xf32, #tpu.memory_space<vmem_shared>>)
    %dma_wait3A_193 = arith.constant 4000 : i32
    %dma_wait3A_194 = arith.constant 0 : i32
    %dma_wait3A_195 = tpu.memref_slice %arg8[%dma_wait3A_193, %dma_wait3A_194] : memref<5000x16xf32, #tpu.memory_space<vmem>> -> memref<1000x16xf32, #tpu.memory_space<vmem>>
    %dma_wait3A_196 = arith.constant 4000 : i32
    %dma_wait3A_197 = tpu.memref_slice %arg7[%dma_wait3A_196] : memref<5000xi32, #tpu.memory_space<vmem>> -> memref<1000xi32, #tpu.memory_space<vmem>>
    %dma_wait3A_198 = arith.constant 0 : i32
    %dma_wait3A_199 = arith.constant 0 : i32
    %dma_wait3A_200 = tpu.memref_slice %arg9[%dma_wait3A_198, %dma_wait3A_199] : memref<10240x16xf32, #tpu.memory_space<vmem_shared>> -> memref<10240x16xf32, #tpu.memory_space<vmem_shared>>
    tpu.wait_indirect_dma semaphore(%arg16 : memref<!tpu.dma_semaphore, #tpu.memory_space<semaphore_mem>>) src(%dma_wait3A_195 : memref<1000x16xf32, #tpu.memory_space<vmem>>) dst(%dma_wait3A_200 : memref<10240x16xf32, #tpu.memory_space<vmem_shared>>)
    %barrier3A_201 = arith.constant 0 : index
    tpu.barrier barrier_id(%barrier3A_201)
    %mul3A_202 = arith.constant 640 : i32
    %mul3A_203 = arith.muli %arg1, %mul3A_202 : i32
    %mul3A_204 = arith.constant 640 : i32
    %mul3A_205 = arith.muli %arg1, %mul3A_204 : i32
    "tpu.region"() ({
      %run_scoped3A = tpu.sem_alloc : memref<!tpu.dma_semaphore, #tpu.memory_space<semaphore_mem>>
      %dma_start3A_206 = arith.constant 0 : i32
      %dma_start3A_207 = tpu.memref_slice %arg5[%arg0, %mul3A_205, %dma_start3A_206] : memref<2x10240x16xf32, #tpu.memory_space<hbm>> -> memref<1x640x16xf32, #tpu.memory_space<hbm>>
      %dma_start3A_208 = tpu.memref_squeeze %dma_start3A_207 : memref<1x640x16xf32, #tpu.memory_space<hbm>> -> memref<640x16xf32, #tpu.memory_space<hbm>>
      %dma_start3A_209 = arith.constant 0 : i32
      %dma_start3A_210 = tpu.memref_slice %arg9[%mul3A_203, %dma_start3A_209] : memref<10240x16xf32, #tpu.memory_space<vmem_shared>> -> memref<640x16xf32, #tpu.memory_space<vmem_shared>>
      tpu.enqueue_dma source(%dma_start3A_210 : memref<640x16xf32, #tpu.memory_space<vmem_shared>>) target(%dma_start3A_208 : memref<640x16xf32, #tpu.memory_space<hbm>>) target_semaphore(%run_scoped3A : memref<!tpu.dma_semaphore, #tpu.memory_space<semaphore_mem>>)
      %dma_wait3A_211 = arith.constant 0 : i32
      %dma_wait3A_212 = tpu.memref_slice %arg5[%arg0, %mul3A_205, %dma_wait3A_211] : memref<2x10240x16xf32, #tpu.memory_space<hbm>> -> memref<1x640x16xf32, #tpu.memory_space<hbm>>
      %dma_wait3A_213 = tpu.memref_squeeze %dma_wait3A_212 : memref<1x640x16xf32, #tpu.memory_space<hbm>> -> memref<640x16xf32, #tpu.memory_space<hbm>>
      %dma_wait3A_214 = arith.constant 0 : i32
      %dma_wait3A_215 = tpu.memref_slice %arg9[%mul3A_203, %dma_wait3A_214] : memref<10240x16xf32, #tpu.memory_space<vmem_shared>> -> memref<640x16xf32, #tpu.memory_space<vmem_shared>>
      tpu.wait_dma2 semaphore(%run_scoped3A : memref<!tpu.dma_semaphore, #tpu.memory_space<semaphore_mem>>) src(%dma_wait3A_215 : memref<640x16xf32, #tpu.memory_space<vmem_shared>>) dst(%dma_wait3A_213 : memref<640x16xf32, #tpu.memory_space<hbm>>)
      tpu.yield
    }) : () -> ()
    return
  }
}

module attributes {stable_mosaic.version = 14 : i64} {
  func.func @_mm1_body(%arg0: i32, %arg1: memref<128x8x256xf32, #tpu.memory_space<vmem>>, %arg2: memref<256x16xf32, #tpu.memory_space<vmem>>, %arg3: memref<128x128xf32, #tpu.memory_space<vmem>>) attributes {dimension_semantics = [#tpu.dimension_semantics<arbitrary>], iteration_bounds = array<i64: 10>, scalar_prefetch = 0 : i64, scratch_operands = 0 : i64, tpu.core_type = #tpu.core_type<tc>, window_params = [{transform_indices = @transform_0, window_bounds = array<i64: 128, 8, 256>}, {pipeline_mode = #tpu.pipeline_mode<synchronous>, transform_indices = @transform_1, window_bounds = array<i64: 256, 16>}, {transform_indices = @transform_2, window_bounds = array<i64: 128, 128>}]} {
    %get3A = arith.constant 0 : index
    %get3A_0 = arith.constant 0 : index
    %get3A_1 = arith.constant 0 : index
    %get3A_2 = vector.load %arg1[%get3A, %get3A_0, %get3A_1] : memref<128x8x256xf32, #tpu.memory_space<vmem>>, vector<128x1x256xf32>
    %get3A_3 = vector.shape_cast %get3A_2 : vector<128x1x256xf32> to vector<128x256xf32>
    %get3A_4 = arith.constant 0 : index
    %get3A_5 = arith.constant 0 : index
    %get3A_6 = vector.load %arg2[%get3A_4, %get3A_5] : memref<256x16xf32, #tpu.memory_space<vmem>>, vector<256x16xf32>
    %dot_general3A = arith.constant dense<0.000000e+00> : vector<128x16xf32>
    %dot_general3A_7 = tpu.matmul %get3A_3, %get3A_6, %dot_general3A {dimension_numbers = #tpu.dot_dimension_numbers<[1], [0], [0], [1], [0, 0, 1, 1], [], []>, transpose_lhs_hint = false} : vector<128x256xf32>, vector<256x16xf32>, vector<128x16xf32> -> vector<128x16xf32>
    %get3A_8 = arith.constant 0 : index
    %get3A_9 = arith.constant 1 : index
    %get3A_10 = arith.constant 0 : index
    %get3A_11 = vector.load %arg1[%get3A_8, %get3A_9, %get3A_10] : memref<128x8x256xf32, #tpu.memory_space<vmem>>, vector<128x1x256xf32>
    %get3A_12 = vector.shape_cast %get3A_11 : vector<128x1x256xf32> to vector<128x256xf32>
    %get3A_13 = arith.constant 0 : index
    %get3A_14 = arith.constant 0 : index
    %get3A_15 = vector.load %arg2[%get3A_13, %get3A_14] : memref<256x16xf32, #tpu.memory_space<vmem>>, vector<256x16xf32>
    %dot_general3A_16 = arith.constant dense<0.000000e+00> : vector<128x16xf32>
    %dot_general3A_17 = tpu.matmul %get3A_12, %get3A_15, %dot_general3A_16 {dimension_numbers = #tpu.dot_dimension_numbers<[1], [0], [0], [1], [0, 0, 1, 1], [], []>, transpose_lhs_hint = false} : vector<128x256xf32>, vector<256x16xf32>, vector<128x16xf32> -> vector<128x16xf32>
    %get3A_18 = arith.constant 0 : index
    %get3A_19 = arith.constant 2 : index
    %get3A_20 = arith.constant 0 : index
    %get3A_21 = vector.load %arg1[%get3A_18, %get3A_19, %get3A_20] : memref<128x8x256xf32, #tpu.memory_space<vmem>>, vector<128x1x256xf32>
    %get3A_22 = vector.shape_cast %get3A_21 : vector<128x1x256xf32> to vector<128x256xf32>
    %get3A_23 = arith.constant 0 : index
    %get3A_24 = arith.constant 0 : index
    %get3A_25 = vector.load %arg2[%get3A_23, %get3A_24] : memref<256x16xf32, #tpu.memory_space<vmem>>, vector<256x16xf32>
    %dot_general3A_26 = arith.constant dense<0.000000e+00> : vector<128x16xf32>
    %dot_general3A_27 = tpu.matmul %get3A_22, %get3A_25, %dot_general3A_26 {dimension_numbers = #tpu.dot_dimension_numbers<[1], [0], [0], [1], [0, 0, 1, 1], [], []>, transpose_lhs_hint = false} : vector<128x256xf32>, vector<256x16xf32>, vector<128x16xf32> -> vector<128x16xf32>
    %get3A_28 = arith.constant 0 : index
    %get3A_29 = arith.constant 3 : index
    %get3A_30 = arith.constant 0 : index
    %get3A_31 = vector.load %arg1[%get3A_28, %get3A_29, %get3A_30] : memref<128x8x256xf32, #tpu.memory_space<vmem>>, vector<128x1x256xf32>
    %get3A_32 = vector.shape_cast %get3A_31 : vector<128x1x256xf32> to vector<128x256xf32>
    %get3A_33 = arith.constant 0 : index
    %get3A_34 = arith.constant 0 : index
    %get3A_35 = vector.load %arg2[%get3A_33, %get3A_34] : memref<256x16xf32, #tpu.memory_space<vmem>>, vector<256x16xf32>
    %dot_general3A_36 = arith.constant dense<0.000000e+00> : vector<128x16xf32>
    %dot_general3A_37 = tpu.matmul %get3A_32, %get3A_35, %dot_general3A_36 {dimension_numbers = #tpu.dot_dimension_numbers<[1], [0], [0], [1], [0, 0, 1, 1], [], []>, transpose_lhs_hint = false} : vector<128x256xf32>, vector<256x16xf32>, vector<128x16xf32> -> vector<128x16xf32>
    %get3A_38 = arith.constant 0 : index
    %get3A_39 = arith.constant 4 : index
    %get3A_40 = arith.constant 0 : index
    %get3A_41 = vector.load %arg1[%get3A_38, %get3A_39, %get3A_40] : memref<128x8x256xf32, #tpu.memory_space<vmem>>, vector<128x1x256xf32>
    %get3A_42 = vector.shape_cast %get3A_41 : vector<128x1x256xf32> to vector<128x256xf32>
    %get3A_43 = arith.constant 0 : index
    %get3A_44 = arith.constant 0 : index
    %get3A_45 = vector.load %arg2[%get3A_43, %get3A_44] : memref<256x16xf32, #tpu.memory_space<vmem>>, vector<256x16xf32>
    %dot_general3A_46 = arith.constant dense<0.000000e+00> : vector<128x16xf32>
    %dot_general3A_47 = tpu.matmul %get3A_42, %get3A_45, %dot_general3A_46 {dimension_numbers = #tpu.dot_dimension_numbers<[1], [0], [0], [1], [0, 0, 1, 1], [], []>, transpose_lhs_hint = false} : vector<128x256xf32>, vector<256x16xf32>, vector<128x16xf32> -> vector<128x16xf32>
    %get3A_48 = arith.constant 0 : index
    %get3A_49 = arith.constant 5 : index
    %get3A_50 = arith.constant 0 : index
    %get3A_51 = vector.load %arg1[%get3A_48, %get3A_49, %get3A_50] : memref<128x8x256xf32, #tpu.memory_space<vmem>>, vector<128x1x256xf32>
    %get3A_52 = vector.shape_cast %get3A_51 : vector<128x1x256xf32> to vector<128x256xf32>
    %get3A_53 = arith.constant 0 : index
    %get3A_54 = arith.constant 0 : index
    %get3A_55 = vector.load %arg2[%get3A_53, %get3A_54] : memref<256x16xf32, #tpu.memory_space<vmem>>, vector<256x16xf32>
    %dot_general3A_56 = arith.constant dense<0.000000e+00> : vector<128x16xf32>
    %dot_general3A_57 = tpu.matmul %get3A_52, %get3A_55, %dot_general3A_56 {dimension_numbers = #tpu.dot_dimension_numbers<[1], [0], [0], [1], [0, 0, 1, 1], [], []>, transpose_lhs_hint = false} : vector<128x256xf32>, vector<256x16xf32>, vector<128x16xf32> -> vector<128x16xf32>
    %get3A_58 = arith.constant 0 : index
    %get3A_59 = arith.constant 6 : index
    %get3A_60 = arith.constant 0 : index
    %get3A_61 = vector.load %arg1[%get3A_58, %get3A_59, %get3A_60] : memref<128x8x256xf32, #tpu.memory_space<vmem>>, vector<128x1x256xf32>
    %get3A_62 = vector.shape_cast %get3A_61 : vector<128x1x256xf32> to vector<128x256xf32>
    %get3A_63 = arith.constant 0 : index
    %get3A_64 = arith.constant 0 : index
    %get3A_65 = vector.load %arg2[%get3A_63, %get3A_64] : memref<256x16xf32, #tpu.memory_space<vmem>>, vector<256x16xf32>
    %dot_general3A_66 = arith.constant dense<0.000000e+00> : vector<128x16xf32>
    %dot_general3A_67 = tpu.matmul %get3A_62, %get3A_65, %dot_general3A_66 {dimension_numbers = #tpu.dot_dimension_numbers<[1], [0], [0], [1], [0, 0, 1, 1], [], []>, transpose_lhs_hint = false} : vector<128x256xf32>, vector<256x16xf32>, vector<128x16xf32> -> vector<128x16xf32>
    %get3A_68 = arith.constant 0 : index
    %get3A_69 = arith.constant 7 : index
    %get3A_70 = arith.constant 0 : index
    %get3A_71 = vector.load %arg1[%get3A_68, %get3A_69, %get3A_70] : memref<128x8x256xf32, #tpu.memory_space<vmem>>, vector<128x1x256xf32>
    %get3A_72 = vector.shape_cast %get3A_71 : vector<128x1x256xf32> to vector<128x256xf32>
    %get3A_73 = arith.constant 0 : index
    %get3A_74 = arith.constant 0 : index
    %get3A_75 = vector.load %arg2[%get3A_73, %get3A_74] : memref<256x16xf32, #tpu.memory_space<vmem>>, vector<256x16xf32>
    %dot_general3A_76 = arith.constant dense<0.000000e+00> : vector<128x16xf32>
    %dot_general3A_77 = tpu.matmul %get3A_72, %get3A_75, %dot_general3A_76 {dimension_numbers = #tpu.dot_dimension_numbers<[1], [0], [0], [1], [0, 0, 1, 1], [], []>, transpose_lhs_hint = false} : vector<128x256xf32>, vector<256x16xf32>, vector<128x16xf32> -> vector<128x16xf32>
    %concatenate3A = tpu.concatenate %dot_general3A_7, %dot_general3A_17, %dot_general3A_27, %dot_general3A_37, %dot_general3A_47, %dot_general3A_57, %dot_general3A_67, %dot_general3A_77 in 1 : vector<128x16xf32>, vector<128x16xf32>, vector<128x16xf32>, vector<128x16xf32>, vector<128x16xf32>, vector<128x16xf32>, vector<128x16xf32>, vector<128x16xf32> -> vector<128x128xf32>
    %swap3A = arith.constant 0 : index
    %swap3A_78 = arith.constant 0 : index
    %swap3A_79 = vector.load %arg3[%swap3A, %swap3A_78] : memref<128x128xf32, #tpu.memory_space<vmem>>, vector<128x128xf32>
    tpu.vector_store %arg3[%swap3A, %swap3A_78], %concatenate3A {strides = array<i32>} : memref<128x128xf32, #tpu.memory_space<vmem>>, vector<128x128xf32>,
    return
  }
  func.func @transform_0(%arg0: i32) -> (i32, i32, i32) {
    %c0_i32 = arith.constant 0 : i32
    %c0_i32_0 = arith.constant 0 : i32
    %c0_i32_1 = arith.constant 0 : i32
    return %arg0, %c0_i32, %c0_i32_0 : i32, i32, i32
  }
  func.func @transform_1(%arg0: i32) -> (i32, i32) {
    %c0_i32 = arith.constant 0 : i32
    %c0_i32_0 = arith.constant 0 : i32
    %c0_i32_1 = arith.constant 0 : i32
    return %c0_i32, %c0_i32_0 : i32, i32
  }
  func.func @transform_2(%arg0: i32) -> (i32, i32) {
    %c0_i32 = arith.constant 0 : i32
    %c0_i32_0 = arith.constant 0 : i32
    return %arg0, %c0_i32 : i32, i32
  }
}

module attributes {stable_mosaic.version = 14 : i64} {
  func.func @_mm2_body(%arg0: i32, %arg1: memref<2x128x128xf32, #tpu.memory_space<vmem>>, %arg2: memref<128x128xf32, #tpu.memory_space<vmem>>, %arg3: memref<16x256xf32, #tpu.memory_space<vmem>>, %arg4: memref<1x256xf32, #tpu.memory_space<vmem>>, %arg5: memref<1x1xf32, #tpu.memory_space<vmem>>, %arg6: memref<128x8x256xf32, #tpu.memory_space<vmem>>) attributes {dimension_semantics = [#tpu.dimension_semantics<arbitrary>], iteration_bounds = array<i64: 10>, scalar_prefetch = 0 : i64, scratch_operands = 0 : i64, tpu.core_type = #tpu.core_type<tc>, window_params = [{transform_indices = @transform_0, window_bounds = array<i64: 2, 128, 128>}, {transform_indices = @transform_1, window_bounds = array<i64: 128, 128>}, {pipeline_mode = #tpu.pipeline_mode<synchronous>, transform_indices = @transform_2, window_bounds = array<i64: 16, 256>}, {pipeline_mode = #tpu.pipeline_mode<synchronous>, transform_indices = @transform_3, window_bounds = array<i64: 1, 256>}, {pipeline_mode = #tpu.pipeline_mode<synchronous>, transform_indices = @transform_4, window_bounds = array<i64: 1, 1>}, {transform_indices = @transform_5, window_bounds = array<i64: 128, 8, 256>}]} {
    %get3A = arith.constant 0 : index
    %get3A_0 = arith.constant 0 : index
    %get3A_1 = arith.constant 0 : index
    %get3A_2 = vector.load %arg1[%get3A, %get3A_0, %get3A_1] : memref<2x128x128xf32, #tpu.memory_space<vmem>>, vector<1x128x128xf32>
    %get3A_3 = vector.shape_cast %get3A_2 : vector<1x128x128xf32> to vector<128x128xf32>
    %get3A_4 = arith.constant 1 : index
    %get3A_5 = arith.constant 0 : index
    %get3A_6 = arith.constant 0 : index
    %get3A_7 = vector.load %arg1[%get3A_4, %get3A_5, %get3A_6] : memref<2x128x128xf32, #tpu.memory_space<vmem>>, vector<1x128x128xf32>
    %get3A_8 = vector.shape_cast %get3A_7 : vector<1x128x128xf32> to vector<128x128xf32>
    %add3A = arith.addf %get3A_3, %get3A_8 : vector<128x128xf32>
    %get3A_9 = arith.constant 0 : index
    %get3A_10 = arith.constant 0 : index
    %get3A_11 = vector.load %arg5[%get3A_9, %get3A_10] : memref<1x1xf32, #tpu.memory_space<vmem>>, vector<1x1xf32>
    %get3A_12 = vector.extract %get3A_11[0, 0] : f32 from vector<1x1xf32>
    %get3A_13 = arith.constant 0 : index
    %get3A_14 = arith.constant 0 : index
    %get3A_15 = vector.load %arg2[%get3A_13, %get3A_14] : memref<128x128xf32, #tpu.memory_space<vmem>>, vector<128x128xf32>
    %mul3A = vector.broadcast %get3A_12 : f32 to vector<128x128xf32>
    %mul3A_16 = arith.mulf %mul3A, %get3A_15 : vector<128x128xf32>
    %add3A_17 = arith.addf %add3A, %mul3A_16 : vector<128x128xf32>
    %slice3A = vector.extract_strided_slice %add3A_17 {offsets = [0, 0], sizes = [128, 16], strides = [1, 1]} : vector<128x128xf32> to vector<128x16xf32>
    %get3A_18 = arith.constant 0 : index
    %get3A_19 = arith.constant 0 : index
    %get3A_20 = vector.load %arg3[%get3A_18, %get3A_19] : memref<16x256xf32, #tpu.memory_space<vmem>>, vector<16x256xf32>
    %dot_general3A = arith.constant dense<0.000000e+00> : vector<128x256xf32>
    %dot_general3A_21 = tpu.matmul %slice3A, %get3A_20, %dot_general3A {dimension_numbers = #tpu.dot_dimension_numbers<[1], [0], [0], [1], [0, 0, 1, 1], [], []>, transpose_lhs_hint = false} : vector<128x16xf32>, vector<16x256xf32>, vector<128x256xf32> -> vector<128x256xf32>
    %get3A_22 = arith.constant 0 : index
    %get3A_23 = arith.constant 0 : index
    %get3A_24 = vector.load %arg4[%get3A_22, %get3A_23] : memref<1x256xf32, #tpu.memory_space<vmem>>, vector<1x256xf32>
    %add3A_25 = vector.broadcast %get3A_24 : vector<1x256xf32> to vector<128x256xf32>
    %add3A_26 = arith.addf %dot_general3A_21, %add3A_25 : vector<128x256xf32>
    %swap3A = arith.constant 0 : index
    %swap3A_27 = arith.constant 0 : index
    %swap3A_28 = arith.constant 0 : index
    %swap3A_29 = vector.load %arg6[%swap3A, %swap3A_27, %swap3A_28] : memref<128x8x256xf32, #tpu.memory_space<vmem>>, vector<128x1x256xf32>
    %swap3A_30 = vector.shape_cast %swap3A_29 : vector<128x1x256xf32> to vector<128x256xf32>
    %swap3A_31 = vector.shape_cast %add3A_26 : vector<128x256xf32> to vector<128x1x256xf32>
    tpu.vector_store %arg6[%swap3A, %swap3A_27, %swap3A_28], %swap3A_31 {strides = array<i32>} : memref<128x8x256xf32, #tpu.memory_space<vmem>>, vector<128x1x256xf32>,
    %slice3A_32 = vector.extract_strided_slice %add3A_17 {offsets = [0, 16], sizes = [128, 16], strides = [1, 1]} : vector<128x128xf32> to vector<128x16xf32>
    %get3A_33 = arith.constant 0 : index
    %get3A_34 = arith.constant 0 : index
    %get3A_35 = vector.load %arg3[%get3A_33, %get3A_34] : memref<16x256xf32, #tpu.memory_space<vmem>>, vector<16x256xf32>
    %dot_general3A_36 = arith.constant dense<0.000000e+00> : vector<128x256xf32>
    %dot_general3A_37 = tpu.matmul %slice3A_32, %get3A_35, %dot_general3A_36 {dimension_numbers = #tpu.dot_dimension_numbers<[1], [0], [0], [1], [0, 0, 1, 1], [], []>, transpose_lhs_hint = false} : vector<128x16xf32>, vector<16x256xf32>, vector<128x256xf32> -> vector<128x256xf32>
    %get3A_38 = arith.constant 0 : index
    %get3A_39 = arith.constant 0 : index
    %get3A_40 = vector.load %arg4[%get3A_38, %get3A_39] : memref<1x256xf32, #tpu.memory_space<vmem>>, vector<1x256xf32>
    %add3A_41 = vector.broadcast %get3A_40 : vector<1x256xf32> to vector<128x256xf32>
    %add3A_42 = arith.addf %dot_general3A_37, %add3A_41 : vector<128x256xf32>
    %swap3A_43 = arith.constant 0 : index
    %swap3A_44 = arith.constant 1 : index
    %swap3A_45 = arith.constant 0 : index
    %swap3A_46 = vector.load %arg6[%swap3A_43, %swap3A_44, %swap3A_45] : memref<128x8x256xf32, #tpu.memory_space<vmem>>, vector<128x1x256xf32>
    %swap3A_47 = vector.shape_cast %swap3A_46 : vector<128x1x256xf32> to vector<128x256xf32>
    %swap3A_48 = vector.shape_cast %add3A_42 : vector<128x256xf32> to vector<128x1x256xf32>
    tpu.vector_store %arg6[%swap3A_43, %swap3A_44, %swap3A_45], %swap3A_48 {strides = array<i32>} : memref<128x8x256xf32, #tpu.memory_space<vmem>>, vector<128x1x256xf32>,
    %slice3A_49 = vector.extract_strided_slice %add3A_17 {offsets = [0, 32], sizes = [128, 16], strides = [1, 1]} : vector<128x128xf32> to vector<128x16xf32>
    %get3A_50 = arith.constant 0 : index
    %get3A_51 = arith.constant 0 : index
    %get3A_52 = vector.load %arg3[%get3A_50, %get3A_51] : memref<16x256xf32, #tpu.memory_space<vmem>>, vector<16x256xf32>
    %dot_general3A_53 = arith.constant dense<0.000000e+00> : vector<128x256xf32>
    %dot_general3A_54 = tpu.matmul %slice3A_49, %get3A_52, %dot_general3A_53 {dimension_numbers = #tpu.dot_dimension_numbers<[1], [0], [0], [1], [0, 0, 1, 1], [], []>, transpose_lhs_hint = false} : vector<128x16xf32>, vector<16x256xf32>, vector<128x256xf32> -> vector<128x256xf32>
    %get3A_55 = arith.constant 0 : index
    %get3A_56 = arith.constant 0 : index
    %get3A_57 = vector.load %arg4[%get3A_55, %get3A_56] : memref<1x256xf32, #tpu.memory_space<vmem>>, vector<1x256xf32>
    %add3A_58 = vector.broadcast %get3A_57 : vector<1x256xf32> to vector<128x256xf32>
    %add3A_59 = arith.addf %dot_general3A_54, %add3A_58 : vector<128x256xf32>
    %swap3A_60 = arith.constant 0 : index
    %swap3A_61 = arith.constant 2 : index
    %swap3A_62 = arith.constant 0 : index
    %swap3A_63 = vector.load %arg6[%swap3A_60, %swap3A_61, %swap3A_62] : memref<128x8x256xf32, #tpu.memory_space<vmem>>, vector<128x1x256xf32>
    %swap3A_64 = vector.shape_cast %swap3A_63 : vector<128x1x256xf32> to vector<128x256xf32>
    %swap3A_65 = vector.shape_cast %add3A_59 : vector<128x256xf32> to vector<128x1x256xf32>
    tpu.vector_store %arg6[%swap3A_60, %swap3A_61, %swap3A_62], %swap3A_65 {strides = array<i32>} : memref<128x8x256xf32, #tpu.memory_space<vmem>>, vector<128x1x256xf32>,
    %slice3A_66 = vector.extract_strided_slice %add3A_17 {offsets = [0, 48], sizes = [128, 16], strides = [1, 1]} : vector<128x128xf32> to vector<128x16xf32>
    %get3A_67 = arith.constant 0 : index
    %get3A_68 = arith.constant 0 : index
    %get3A_69 = vector.load %arg3[%get3A_67, %get3A_68] : memref<16x256xf32, #tpu.memory_space<vmem>>, vector<16x256xf32>
    %dot_general3A_70 = arith.constant dense<0.000000e+00> : vector<128x256xf32>
    %dot_general3A_71 = tpu.matmul %slice3A_66, %get3A_69, %dot_general3A_70 {dimension_numbers = #tpu.dot_dimension_numbers<[1], [0], [0], [1], [0, 0, 1, 1], [], []>, transpose_lhs_hint = false} : vector<128x16xf32>, vector<16x256xf32>, vector<128x256xf32> -> vector<128x256xf32>
    %get3A_72 = arith.constant 0 : index
    %get3A_73 = arith.constant 0 : index
    %get3A_74 = vector.load %arg4[%get3A_72, %get3A_73] : memref<1x256xf32, #tpu.memory_space<vmem>>, vector<1x256xf32>
    %add3A_75 = vector.broadcast %get3A_74 : vector<1x256xf32> to vector<128x256xf32>
    %add3A_76 = arith.addf %dot_general3A_71, %add3A_75 : vector<128x256xf32>
    %swap3A_77 = arith.constant 0 : index
    %swap3A_78 = arith.constant 3 : index
    %swap3A_79 = arith.constant 0 : index
    %swap3A_80 = vector.load %arg6[%swap3A_77, %swap3A_78, %swap3A_79] : memref<128x8x256xf32, #tpu.memory_space<vmem>>, vector<128x1x256xf32>
    %swap3A_81 = vector.shape_cast %swap3A_80 : vector<128x1x256xf32> to vector<128x256xf32>
    %swap3A_82 = vector.shape_cast %add3A_76 : vector<128x256xf32> to vector<128x1x256xf32>
    tpu.vector_store %arg6[%swap3A_77, %swap3A_78, %swap3A_79], %swap3A_82 {strides = array<i32>} : memref<128x8x256xf32, #tpu.memory_space<vmem>>, vector<128x1x256xf32>,
    %slice3A_83 = vector.extract_strided_slice %add3A_17 {offsets = [0, 64], sizes = [128, 16], strides = [1, 1]} : vector<128x128xf32> to vector<128x16xf32>
    %get3A_84 = arith.constant 0 : index
    %get3A_85 = arith.constant 0 : index
    %get3A_86 = vector.load %arg3[%get3A_84, %get3A_85] : memref<16x256xf32, #tpu.memory_space<vmem>>, vector<16x256xf32>
    %dot_general3A_87 = arith.constant dense<0.000000e+00> : vector<128x256xf32>
    %dot_general3A_88 = tpu.matmul %slice3A_83, %get3A_86, %dot_general3A_87 {dimension_numbers = #tpu.dot_dimension_numbers<[1], [0], [0], [1], [0, 0, 1, 1], [], []>, transpose_lhs_hint = false} : vector<128x16xf32>, vector<16x256xf32>, vector<128x256xf32> -> vector<128x256xf32>
    %get3A_89 = arith.constant 0 : index
    %get3A_90 = arith.constant 0 : index
    %get3A_91 = vector.load %arg4[%get3A_89, %get3A_90] : memref<1x256xf32, #tpu.memory_space<vmem>>, vector<1x256xf32>
    %add3A_92 = vector.broadcast %get3A_91 : vector<1x256xf32> to vector<128x256xf32>
    %add3A_93 = arith.addf %dot_general3A_88, %add3A_92 : vector<128x256xf32>
    %swap3A_94 = arith.constant 0 : index
    %swap3A_95 = arith.constant 4 : index
    %swap3A_96 = arith.constant 0 : index
    %swap3A_97 = vector.load %arg6[%swap3A_94, %swap3A_95, %swap3A_96] : memref<128x8x256xf32, #tpu.memory_space<vmem>>, vector<128x1x256xf32>
    %swap3A_98 = vector.shape_cast %swap3A_97 : vector<128x1x256xf32> to vector<128x256xf32>
    %swap3A_99 = vector.shape_cast %add3A_93 : vector<128x256xf32> to vector<128x1x256xf32>
    tpu.vector_store %arg6[%swap3A_94, %swap3A_95, %swap3A_96], %swap3A_99 {strides = array<i32>} : memref<128x8x256xf32, #tpu.memory_space<vmem>>, vector<128x1x256xf32>,
    %slice3A_100 = vector.extract_strided_slice %add3A_17 {offsets = [0, 80], sizes = [128, 16], strides = [1, 1]} : vector<128x128xf32> to vector<128x16xf32>
    %get3A_101 = arith.constant 0 : index
    %get3A_102 = arith.constant 0 : index
    %get3A_103 = vector.load %arg3[%get3A_101, %get3A_102] : memref<16x256xf32, #tpu.memory_space<vmem>>, vector<16x256xf32>
    %dot_general3A_104 = arith.constant dense<0.000000e+00> : vector<128x256xf32>
    %dot_general3A_105 = tpu.matmul %slice3A_100, %get3A_103, %dot_general3A_104 {dimension_numbers = #tpu.dot_dimension_numbers<[1], [0], [0], [1], [0, 0, 1, 1], [], []>, transpose_lhs_hint = false} : vector<128x16xf32>, vector<16x256xf32>, vector<128x256xf32> -> vector<128x256xf32>
    %get3A_106 = arith.constant 0 : index
    %get3A_107 = arith.constant 0 : index
    %get3A_108 = vector.load %arg4[%get3A_106, %get3A_107] : memref<1x256xf32, #tpu.memory_space<vmem>>, vector<1x256xf32>
    %add3A_109 = vector.broadcast %get3A_108 : vector<1x256xf32> to vector<128x256xf32>
    %add3A_110 = arith.addf %dot_general3A_105, %add3A_109 : vector<128x256xf32>
    %swap3A_111 = arith.constant 0 : index
    %swap3A_112 = arith.constant 5 : index
    %swap3A_113 = arith.constant 0 : index
    %swap3A_114 = vector.load %arg6[%swap3A_111, %swap3A_112, %swap3A_113] : memref<128x8x256xf32, #tpu.memory_space<vmem>>, vector<128x1x256xf32>
    %swap3A_115 = vector.shape_cast %swap3A_114 : vector<128x1x256xf32> to vector<128x256xf32>
    %swap3A_116 = vector.shape_cast %add3A_110 : vector<128x256xf32> to vector<128x1x256xf32>
    tpu.vector_store %arg6[%swap3A_111, %swap3A_112, %swap3A_113], %swap3A_116 {strides = array<i32>} : memref<128x8x256xf32, #tpu.memory_space<vmem>>, vector<128x1x256xf32>,
    %slice3A_117 = vector.extract_strided_slice %add3A_17 {offsets = [0, 96], sizes = [128, 16], strides = [1, 1]} : vector<128x128xf32> to vector<128x16xf32>
    %get3A_118 = arith.constant 0 : index
    %get3A_119 = arith.constant 0 : index
    %get3A_120 = vector.load %arg3[%get3A_118, %get3A_119] : memref<16x256xf32, #tpu.memory_space<vmem>>, vector<16x256xf32>
    %dot_general3A_121 = arith.constant dense<0.000000e+00> : vector<128x256xf32>
    %dot_general3A_122 = tpu.matmul %slice3A_117, %get3A_120, %dot_general3A_121 {dimension_numbers = #tpu.dot_dimension_numbers<[1], [0], [0], [1], [0, 0, 1, 1], [], []>, transpose_lhs_hint = false} : vector<128x16xf32>, vector<16x256xf32>, vector<128x256xf32> -> vector<128x256xf32>
    %get3A_123 = arith.constant 0 : index
    %get3A_124 = arith.constant 0 : index
    %get3A_125 = vector.load %arg4[%get3A_123, %get3A_124] : memref<1x256xf32, #tpu.memory_space<vmem>>, vector<1x256xf32>
    %add3A_126 = vector.broadcast %get3A_125 : vector<1x256xf32> to vector<128x256xf32>
    %add3A_127 = arith.addf %dot_general3A_122, %add3A_126 : vector<128x256xf32>
    %swap3A_128 = arith.constant 0 : index
    %swap3A_129 = arith.constant 6 : index
    %swap3A_130 = arith.constant 0 : index
    %swap3A_131 = vector.load %arg6[%swap3A_128, %swap3A_129, %swap3A_130] : memref<128x8x256xf32, #tpu.memory_space<vmem>>, vector<128x1x256xf32>
    %swap3A_132 = vector.shape_cast %swap3A_131 : vector<128x1x256xf32> to vector<128x256xf32>
    %swap3A_133 = vector.shape_cast %add3A_127 : vector<128x256xf32> to vector<128x1x256xf32>
    tpu.vector_store %arg6[%swap3A_128, %swap3A_129, %swap3A_130], %swap3A_133 {strides = array<i32>} : memref<128x8x256xf32, #tpu.memory_space<vmem>>, vector<128x1x256xf32>,
    %slice3A_134 = vector.extract_strided_slice %add3A_17 {offsets = [0, 112], sizes = [128, 16], strides = [1, 1]} : vector<128x128xf32> to vector<128x16xf32>
    %get3A_135 = arith.constant 0 : index
    %get3A_136 = arith.constant 0 : index
    %get3A_137 = vector.load %arg3[%get3A_135, %get3A_136] : memref<16x256xf32, #tpu.memory_space<vmem>>, vector<16x256xf32>
    %dot_general3A_138 = arith.constant dense<0.000000e+00> : vector<128x256xf32>
    %dot_general3A_139 = tpu.matmul %slice3A_134, %get3A_137, %dot_general3A_138 {dimension_numbers = #tpu.dot_dimension_numbers<[1], [0], [0], [1], [0, 0, 1, 1], [], []>, transpose_lhs_hint = false} : vector<128x16xf32>, vector<16x256xf32>, vector<128x256xf32> -> vector<128x256xf32>
    %get3A_140 = arith.constant 0 : index
    %get3A_141 = arith.constant 0 : index
    %get3A_142 = vector.load %arg4[%get3A_140, %get3A_141] : memref<1x256xf32, #tpu.memory_space<vmem>>, vector<1x256xf32>
    %add3A_143 = vector.broadcast %get3A_142 : vector<1x256xf32> to vector<128x256xf32>
    %add3A_144 = arith.addf %dot_general3A_139, %add3A_143 : vector<128x256xf32>
    %swap3A_145 = arith.constant 0 : index
    %swap3A_146 = arith.constant 7 : index
    %swap3A_147 = arith.constant 0 : index
    %swap3A_148 = vector.load %arg6[%swap3A_145, %swap3A_146, %swap3A_147] : memref<128x8x256xf32, #tpu.memory_space<vmem>>, vector<128x1x256xf32>
    %swap3A_149 = vector.shape_cast %swap3A_148 : vector<128x1x256xf32> to vector<128x256xf32>
    %swap3A_150 = vector.shape_cast %add3A_144 : vector<128x256xf32> to vector<128x1x256xf32>
    tpu.vector_store %arg6[%swap3A_145, %swap3A_146, %swap3A_147], %swap3A_150 {strides = array<i32>} : memref<128x8x256xf32, #tpu.memory_space<vmem>>, vector<128x1x256xf32>,
    return
  }
  func.func @transform_0(%arg0: i32) -> (i32, i32, i32) {
    %c0_i32 = arith.constant 0 : i32
    %c0_i32_0 = arith.constant 0 : i32
    %c0_i32_1 = arith.constant 0 : i32
    return %c0_i32, %arg0, %c0_i32_0 : i32, i32, i32
  }
  func.func @transform_1(%arg0: i32) -> (i32, i32) {
    %c0_i32 = arith.constant 0 : i32
    %c0_i32_0 = arith.constant 0 : i32
    return %arg0, %c0_i32 : i32, i32
  }
  func.func @transform_2(%arg0: i32) -> (i32, i32) {
    %c0_i32 = arith.constant 0 : i32
    %c0_i32_0 = arith.constant 0 : i32
    %c0_i32_1 = arith.constant 0 : i32
    return %c0_i32, %c0_i32_0 : i32, i32
  }
  func.func @transform_3(%arg0: i32) -> (i32, i32) {
    %c0_i32 = arith.constant 0 : i32
    %c0_i32_0 = arith.constant 0 : i32
    %c0_i32_1 = arith.constant 0 : i32
    return %c0_i32, %c0_i32_0 : i32, i32
  }
  func.func @transform_4(%arg0: i32) -> (i32, i32) {
    %c0_i32 = arith.constant 0 : i32
    %c0_i32_0 = arith.constant 0 : i32
    %c0_i32_1 = arith.constant 0 : i32
    return %c0_i32, %c0_i32_0 : i32, i32
  }
  func.func @transform_5(%arg0: i32) -> (i32, i32, i32) {
    %c0_i32 = arith.constant 0 : i32
    %c0_i32_0 = arith.constant 0 : i32
    %c0_i32_1 = arith.constant 0 : i32
    return %arg0, %c0_i32, %c0_i32_0 : i32, i32, i32
  }
}

module attributes {stable_mosaic.version = 14 : i64} {
  func.func @_act_body(%arg0: memref<2x1280x128xf32, #tpu.memory_space<vmem>>, %arg1: memref<1280x128xf32, #tpu.memory_space<vmem>>, %arg2: memref<1x128xf32, #tpu.memory_space<vmem>>, %arg3: memref<1x1xf32, #tpu.memory_space<vmem>>, %arg4: memref<1280x128xf32, #tpu.memory_space<vmem>>) attributes {dimension_semantics = [], scalar_prefetch = 0 : i64, scratch_operands = 0 : i64, tpu.core_type = #tpu.core_type<tc>} {
    %get3A = arith.constant 0 : index
    %get3A_0 = arith.constant 0 : index
    %get3A_1 = arith.constant 0 : index
    %get3A_2 = vector.load %arg0[%get3A, %get3A_0, %get3A_1] : memref<2x1280x128xf32, #tpu.memory_space<vmem>>, vector<1x1280x128xf32>
    %get3A_3 = vector.shape_cast %get3A_2 : vector<1x1280x128xf32> to vector<1280x128xf32>
    %get3A_4 = arith.constant 1 : index
    %get3A_5 = arith.constant 0 : index
    %get3A_6 = arith.constant 0 : index
    %get3A_7 = vector.load %arg0[%get3A_4, %get3A_5, %get3A_6] : memref<2x1280x128xf32, #tpu.memory_space<vmem>>, vector<1x1280x128xf32>
    %get3A_8 = vector.shape_cast %get3A_7 : vector<1x1280x128xf32> to vector<1280x128xf32>
    %add3A = arith.addf %get3A_3, %get3A_8 : vector<1280x128xf32>
    %get3A_9 = arith.constant 0 : index
    %get3A_10 = arith.constant 0 : index
    %get3A_11 = vector.load %arg3[%get3A_9, %get3A_10] : memref<1x1xf32, #tpu.memory_space<vmem>>, vector<1x1xf32>
    %get3A_12 = vector.extract %get3A_11[0, 0] : f32 from vector<1x1xf32>
    %get3A_13 = arith.constant 0 : index
    %get3A_14 = arith.constant 0 : index
    %get3A_15 = vector.load %arg1[%get3A_13, %get3A_14] : memref<1280x128xf32, #tpu.memory_space<vmem>>, vector<1280x128xf32>
    %mul3A = vector.broadcast %get3A_12 : f32 to vector<1280x128xf32>
    %mul3A_16 = arith.mulf %mul3A, %get3A_15 : vector<1280x128xf32>
    %add3A_17 = arith.addf %add3A, %mul3A_16 : vector<1280x128xf32>
    %get3A_18 = arith.constant 0 : index
    %get3A_19 = arith.constant 0 : index
    %get3A_20 = vector.load %arg2[%get3A_18, %get3A_19] : memref<1x128xf32, #tpu.memory_space<vmem>>, vector<1x128xf32>
    %add3A_21 = vector.broadcast %get3A_20 : vector<1x128xf32> to vector<1280x128xf32>
    %add3A_22 = arith.addf %add3A_17, %add3A_21 : vector<1280x128xf32>
    %logistic3A = arith.negf %add3A_22 : vector<1280x128xf32>
    %logistic3A_23 = math.exp %logistic3A : vector<1280x128xf32>
    %logistic3A_24 = arith.constant 1.000000e+00 : f32
    %logistic3A_25 = vector.broadcast %logistic3A_24 : f32 to vector<1280x128xf32>
    %logistic3A_26 = arith.addf %logistic3A_25, %logistic3A_23 : vector<1280x128xf32>
    %logistic3A_27 = arith.divf %logistic3A_25, %logistic3A_26 : vector<1280x128xf32>
    %swap3A = arith.constant 0 : index
    %swap3A_28 = arith.constant 0 : index
    %swap3A_29 = vector.load %arg4[%swap3A, %swap3A_28] : memref<1280x128xf32, #tpu.memory_space<vmem>>, vector<1280x128xf32>
    tpu.vector_store %arg4[%swap3A, %swap3A_28], %logistic3A_27 {strides = array<i32>} : memref<1280x128xf32, #tpu.memory_space<vmem>>, vector<1280x128xf32>,
    return
  }
}

</mosaic_0001>

<sc_bundles>
// kernel: kernel.10.cloned.1.call-start
scs
__scs_entry_jumppad:
0x0: {  	(pc) =	sbr.rel $0x88, $3  }
0x1: {  	(tag) =	ssettag $0x0;
	lr =	simm.s32 $0x1  }
0x2: {  	[smem:$0x3F99] =	sst lr;
	_ =	strace $0xD0000000  }
0x3: {  	_ = 	snop  }
0x4: {  	_ = 	snop  }
0x5: {  	_ = 	snop  }
0x6: {  	_ = 	snop  }
0x7: {  	_ = 	snop  }
__scs_overlays_trampoline_lowered:
0x8: {  	[smem:$0x3FA8] =	sst s0  }
0x9: {  	[smem:$0x3FA9] =	sst s1  }
0xa: {  	[smem:$0x3FAA] =	sst s2  }
0xb: {  	[smem:$0x3FAB] =	sst s3  }
0xc: {  	[smem:$0x3FAC] =	sst s4  }
0xd: {  	[smem:$0x3FAD] =	sst s5  }
0xe: {  	[smem:$0x3FAE] =	sst s6  }
0xf: {  	[smem:$0x3FAF] =	sst s7  }
0x10: {  	[smem:$0x3FB0] =	sst s8  }
0x11: {  	[smem:$0x3FB1] =	sst s9;
	s0 =	simm.s32 @!p0 $0x0  }
0x12: {  	s1 =	sld [smem:$0x3F97];
	s0 =	simm.s32 @p0 $0x1  }
0x13: {  	[smem:$0x3FB2] =	sst s0;
	s0 =	simm.s32 @!p1 $0x0  }
0x14: {  	s2 =	sld [smem:$0x3F96];
	s0 =	simm.s32 @p1 $0x1  }
0x15: {  	[smem:$0x3FB3] =	sst s0;
	s0 =	simm.s32 @!p2 $0x0  }
0x16: {  	s3 =	sld [smem:$0x3FDB];
	s0 =	simm.s32 @p2 $0x1  }
0x17: {  	s4 =	simm.s32 $0x1BF5;
	[smem:$0x3FB5] =	sst s0  }
0x18: {  	s0 =	sld [smem:$0x3F98];
	_ =	swait.ge [sflag:s4], $0x0  }
0x19: {  	s7 =	sld [smem:$0x3F99]  }
0x1a: {  	s8 =	sadd.s32 $0xFFFFE003, lr  }
0x1b: {  	s9 =	sadd.s32 $0xFFFFFEF7, lr;
	s5 =	simm.s32 $0xFFFFFFFF;
	p2 =	slt.u32 s8, $0xFFFFF086  }
0x1c: {  	p1 =	slt.u32 s9, $0xF7A;
	s5 =	simm.s32 @!p2 $0x0  }
0x1d: {  	s5 =	simm.s32 @p1 $0x1;
	p0 =	seq.s32 s7, s2  }
0x1e: {  	s7 =	smul.u32 @!p0 $0xF7A, s2;
	p2 =	seq.s32 @!p0 s5, $0x0  }
0x1f: {  	s9 =	smul.u32 $0xF7A, s1;
	s8 =	simm.s32 @!p0 $0x1BF5;
	p2 =	por !p2, p0  }
0x20: {  	[sflag:s8] =	ssyncset.s32 @!p0 $0xFFFFF086;
	s6 =	sadd.s32 @!p0 s3, s7;
	s7 =	simm.s32 @!p0 $0x108  }
0x21: {  	s3 =	sadd.s32 s3, s9;
	s6 =	sadd.s32 @!p0 $0x88, s6;
	s7 =	simm.s32 @p2 $0x1082  }
0x22: {  	[simem:s7], [sflag:s8] =	dma.local @!p0 [hbm:s6], $0xF7A  }
0x23: {  	s9 =	sor.u32 $0xD0000000, s2;
	s6 =	simm.s32 $0x108;
	_ =	swait.ge @!p0 [sflag:s8], $0x0  }
0x24: {  	s3 =	sadd.s32 $0x88, s3;
	s6 =	simm.s32 @!p1 $0x1082;
	[sflag:s4] =	ssyncset.s32 $0xFFFFF086  }
0x25: {  	[simem:s6], [sflag:s4] =	dma.local [hbm:s3], $0xF7A  }
0x26: {  	[smem:$0x3F99] =	sst s1;
	(tag) =	ssettag s2;
	_ =	strace s9  }
0x27: {  	s1 =	sld [smem:$0x3FA9]  }
0x28: {  	s2 =	sld [smem:$0x3FAA]  }
0x29: {  	s4 =	sld [smem:$0x3FAC]  }
0x2a: {  	p0 =	seq.s32 s5, $0x0;
	s5 =	sld [smem:$0x3FAD]  }
0x2b: {  	s6 =	sld [smem:$0x3FAE]  }
0x2c: {  	s7 =	sld [smem:$0x3FAF]  }
0x2d: {  	s3 =	simm.s32 $0x108;
	s8 =	sld [smem:$0x3FB0]  }
0x2e: {  	s3 =	simm.s32 @!p0 $0x1082;
	s9 =	sld [smem:$0x3FB1]  }
0x2f: {  	lr =	sadd.s32 s0, s3;
	s0 =	sld [smem:$0x3FA8]  }
0x30: {  	s3 =	sld [smem:$0x3FAB]  }
0x31: {  	[smem:$0x3FB4] =	sst s10  }
0x32: {  	s10 =	sld [smem:$0x3FB2];
	_ =	sdelay $0x3  }
0x33: {  	p0 =	seq.s32 s10, $0x1;
	s10 =	sld [smem:$0x3FB4];
	_ =	sdelay $0x3  }
0x34: {  	[smem:$0x3FB4] =	sst s10  }
0x35: {  	s10 =	sld [smem:$0x3FB3];
	_ =	sdelay $0x3  }
0x36: {  	p1 =	seq.s32 s10, $0x1;
	s10 =	sld [smem:$0x3FB4];
	_ =	sdelay $0x3  }
0x37: {  	[smem:$0x3FB4] =	sst s10  }
0x38: {  	s10 =	sld [smem:$0x3FB5]  }
0x39: {  	_ = 	snop;
	(pc) =	sbr.ind lr, $3  }
0x3a: {  	_ = 	snop  }
0x3b: {  	_ = 	snop  }
0x3c: {  	p2 =	seq.s32 s10, $0x1;
	s10 =	sld [smem:$0x3FB4]  }
0x3d: {  	_ =	shalt  }
0x3e: {  	_ =	shalt  }
0x3f: {  	_ =	shalt  }
0x40: {  	_ =	shalt  }
0x41: {  	_ =	shalt  }
0x42: {  	_ =	shalt  }
0x43: {  	_ =	shalt  }
0x44: {  	_ =	shalt  }
0x45: {  	_ =	shalt  }
0x46: {  	_ =	shalt  }
0x47: {  	_ =	shalt  }
0x48: {  	_ =	shalt  }
0x49: {  	_ =	shalt  }
0x4a: {  	_ =	shalt  }
0x4b: {  	_ =	shalt  }
0x4c: {  	_ =	shalt  }
0x4d: {  	_ =	shalt  }
0x4e: {  	_ =	shalt  }
0x4f: {  	_ =	shalt  }
0x50: {  	_ =	shalt  }
0x51: {  	_ =	shalt  }
0x52: {  	_ =	shalt  }
0x53: {  	_ =	shalt  }
0x54: {  	_ =	shalt  }
0x55: {  	_ =	shalt  }
0x56: {  	_ =	shalt  }
0x57: {  	_ =	shalt  }
0x58: {  	_ =	shalt  }
0x59: {  	_ =	shalt  }
0x5a: {  	_ =	shalt  }
0x5b: {  	_ =	shalt  }
0x5c: {  	_ =	shalt  }
0x5d: {  	_ =	shalt  }
0x5e: {  	_ =	shalt  }
0x5f: {  	_ =	shalt  }
0x60: {  	_ =	shalt  }
0x61: {  	_ =	shalt  }
0x62: {  	_ =	shalt  }
0x63: {  	_ =	shalt  }
0x64: {  	_ =	shalt  }
0x65: {  	_ =	shalt  }
0x66: {  	_ =	shalt  }
0x67: {  	_ =	shalt  }
0x68: {  	_ =	shalt  }
0x69: {  	_ =	shalt  }
0x6a: {  	_ =	shalt  }
0x6b: {  	_ =	shalt  }
0x6c: {  	_ =	shalt  }
0x6d: {  	_ =	shalt  }
0x6e: {  	_ =	shalt  }
0x6f: {  	_ =	shalt  }
0x70: {  	_ =	shalt  }
0x71: {  	_ =	shalt  }
0x72: {  	_ =	shalt  }
0x73: {  	_ =	shalt  }
0x74: {  	_ =	shalt  }
0x75: {  	_ =	shalt  }
0x76: {  	_ =	shalt  }
0x77: {  	_ =	shalt  }
0x78: {  	_ =	shalt  }
0x79: {  	_ =	shalt  }
0x7a: {  	_ =	shalt  }
0x7b: {  	_ =	shalt  }
0x7c: {  	_ =	shalt  }
0x7d: {  	_ =	shalt  }
0x7e: {  	_ =	shalt  }
0x7f: {  	_ =	shalt  }
0x80: {  	_ =	shalt  }
0x81: {  	_ =	shalt  }
0x82: {  	_ =	shalt  }
0x83: {  	_ =	shalt  }
0x84: {  	_ =	shalt  }
0x85: {  	_ =	shalt  }
0x86: {  	_ =	shalt  }
0x87: {  	_ =	shalt  }
.Lfunc_end0:
.L_simem_size_0:
called_computation.1_lowered:
.L_overlay_start_0:
0x88: {  	s2 =	sld [smem:$0x3FD9]  }
0x89: {  	s3 =	sld [smem:$0x3FFE];
	_ =	sdelay $0x1  }
0x8a: {  	s1 =	srdreg.scid  }
0x8b: {  	s0 =	sand.u32 $0x1, s1  }
0x8c: {  	s17 =	sshll.u32 s0, $0xA;
	s2 =	sadd.s32 s3, s2  }
0x8d: {  	s2 =	sadd.s32 s2, s17  }
0x8e: {  	[smem:$0x3FC0] =	sst s2  }
0x8f: {  	_ = 	snop  }
0x90: {  	s2 =	sld [smem:$0x3FD0];
	(tm) =	ssettm $0x1  }
0x91: {  	s18 =	sld [smem:$0x3FFB];
	_ =	sdelay $0x3  }
0x92: {  	_ =	strace s18  }
0x93: {  	s3 =	sld [smem:$0x3FFC];
	_ =	sdelay $0x3  }
0x94: {  	_ =	strace s3  }
0x95: {  	s3 =	sld [smem:$0x3FFD];
	_ =	sdelay $0x3  }
0x96: {  	_ =	strace s3  }
0x97: {  	_ =	strace $0x8FFFFFFF  }
0x98: {  	s19 =	sld [smem:$0x3FDB];
	_ =	sdelay $0x1  }
0x99: {  	s4 =	simm.s32 $_scs_section_size  }
0x9a: {  	s5 =	simm.s32 $_size__tile_overlayer_lowered;
	s6 =	simm.s32 $_tile_overlayer_lowered  }
0x9b: {  	s22 =	simm.s32 $0x1BFF;
	s21 =	sshll.u32 s6, $0x1;
	s3 =	sadd.s32 s4, s19  }
0x9c: {  	s7 =	simm.s32 $0x0;
	s20 =	sshll.u32 s5, $0x1;
	s5 =	sadd.s32 s21, s3  }
0x9d: {  	[timem:s7], [sflag:s22] =	dma.local [hbm:s5], s20  }
0x9e: {  	_ =	swait.ge [sflag:s22], s20  }
0x9f: {  	s4 =	ssub.s32 $0x0, s20;
	[sflag:s22] =	ssyncset.done $0x0  }
0xa0: {  	[sflag:s22] =	ssyncadd.s32 s4;
	_ =	sdelay $0x1  }
0xa1: {  	s23 =	simm.s32 $0x1B8B  }
0xa2: {  	_ =	swait.ge [sflag:s23], $0x1  }
0xa3: {  	[sflag:s23] =	ssyncset.done $0x0  }
0xa4: {  	s25 =	simm.s32 $0x1B8E;
	s24 =	sld [smem:$0x3FFE];
	[sflag:s23] =	ssyncadd.s32 $0xFFFFFFFF  }
0xa5: {  	s26 =	simm.s32 $execute0_lowered;
	[smem:$0x3FD2] =	sst s25  }
0xa6: {  	s5 =	sshll.u32 s26, $0x1;
	_ =	strace $0x80000049;
	[dreg:$0x1] =	wrdreg $0xFFFFFFFF  }
0xa7: {  	s28 =	simm.s32 $_size_execute0_lowered;
	s3 =	sadd.s32 s3, s5;
	[dreg:$0x0] =	wrdreg $0x0  }
0xa8: {  	s5 =	sshll.u32 s28, $0x1;
	[dreg:$0x2] =	wrdreg s3  }
0xa9: {  	[dreg:$0x3] =	wrdreg s5  }
0xaa: {  	[dreg:$0x4] =	wrdreg $0xC0  }
0xab: {  	_ =	task [dreg:s7], $0x5FFFF  }
0xac: {  	[dreg:$0x1] =	wrdreg $0xFFFFFFFF  }
0xad: {  	[dreg:$0x0] =	wrdreg $0x60  }
0xae: {  	[dreg:$0x2] =	wrdreg s24  }
0xaf: {  	[dreg:$0x3] =	wrdreg s2  }
0xb0: {  	[dreg:$0x4] =	wrdreg $0x187900  }
0xb1: {  	[dreg:$0x5] =	wrdreg $0x15F900  }
0xb2: {  	[dreg:$0x6] =	wrdreg $0x9  }
0xb3: {  	_ =	task.clear_ibuf [dreg:s7], $0x7FFFF;
	_ =	strace $0x90000049  }
0xb4: {  	s29 =	simm.s32 $0x9;
	_ =	strace $0x8000004B  }
0xb5: {  	_ =	swait.ge [sflag:s29], $0x1  }
0xb6: {  	[sflag:s29] =	ssyncadd.s32 $0xFFFFFFFF  }
0xb7: {  	_ =	strace $0x9000004B  }
0xb8: {  	_ =	sfence  }
0xb9: {  	s30 =	sld [smem:$0x0];
	_ =	sdelay $0x2  }
0xba: {  	s31 =	sshll.u32 s1, $0xD;
	s1 =	sshrl.u32 s1, $0x2  }
0xbb: {  	s3 =	sand.u32 $0x4000, s31;
	s1 =	sadd.s32 s1, s30  }
0xbc: {  	s0 =	sor.u32 s3, s0;
	s1 =	sshll.u32 s1, $0x11  }
0xbd: {  	s0 =	sor.u32 s1, s0  }
0xbe: {  	s0 =	sadd.s32 $0x8F2B, s0  }
0xbf: {  	[sflag:s0] =	ssyncadd.remote.s32 $0x1  }
0xc0: {  	_ =	sfence.sel $0xFFFF  }
0xc1: {  	[dreg:$0x0] =	wrdreg $0xFFFFFFFF;
	(pc) =	sbr.abs _section_cstart, $3  }
0xc2: {  	[dreg:$0x1] =	wrdreg $0xFFFFFFFF  }
0xc3: {  	_ =	task.clear_ibuf [dreg:s7], $0x2FFFF;
	_ =	strace $0x9FFFFFFF  }
0xc4: {  	(tm) =	ssettm $0x7FFFFFFF  }
0xc5: {  	_ =	shalt  }
tec
execute0_lowered:
.L_overlay_start_1:
0x0: {  	(tag) =	ssettag $0x1  }
0x1: {  	s0 =	rddreg [dreg:$0x0]  }
0x2: {  	s1 =	rddreg [dreg:$0x1]  }
0x3: {  	s2 =	srdreg.scid;
	s5 =	rddreg [dreg:$0x2]  }
0x4: {  	s19 =	stileid.u32;
	s31 =	rddreg [dreg:$0x4];
	s7 =	simm.s32 $0x0  }
0x5: {  	s11 =	simm.s32 $0x1388;
	s16 =	simm.s32 $0x1;
	s13 =	simm.s32 $0x2  }
0x6: {  	s15 =	simm.s32 $0x6590;
	s14 =	simm.s32 $0xA410;
	s29 =	simm.s32 $0xBB8  }
0x7: {  	s12 =	simm.s32 $0xE290;
	s28 =	simm.s32 $0xFA0;
	s25 =	simm.s32 $0x1770  }
0x8: {  	p0 =	por $0x0, $0x0;
	s3 =	sand.u32 $0x1, s2;
	s2 =	rddreg [dreg:$0x3]  }
0x9: {  	s4 =	sshll.u32 s19, $0x1;
	[smem:$0x7FF] =	sst s7;
	s6 =	smul.u32 $0x2800, s19  }
0xa: {  	s4 =	sor.u32 s3, s4;
	s9 =	ssub.s32 $0x2, s3;
	s3 =	smul.u32 $0x28000, s3  }
0xb: {  	_ =	strace $0x8000004A;
	s4 =	smul.u32 $0x1388, s4;
	s8 =	sshrl.u32 s6, $0x3  }
0xc: {  	s17 =	sshrl.u32 s9, $0x1;
	s20 =	sadd.s32 s6, s5;
	s23 =	sadd.s32 s6, s2  }
0xd: {  	s21 =	sadd.s32 s6, s3;
	s3 =	sshll.u32 s19, $0x6;
	s30 =	sshrl.u32 s20, $0x3  }
0xe: {  	s6 =	simm.s32 $0x6;
	s20 =	simm.s32 $0x3;
	s4 =	sshrl.u32 s4, $0x3  }
0xf: {  	s26 =	sor.u32 $0x1C06, s3;
	s4 =	sadd.s32 s4, s0;
	s0 =	sadd.s32 s8, s0  }
0x10: {  	s8 =	ssub.s32 s9, s17;
	s9 =	simm.s32 $0x3E8;
	s17 =	simm.s32 $0x2710  }
0x11: {  	s10 =	sadd.s32 $0x1C00, s4;
	s4 =	sadd.s32 $0x6A20, s4;
	s18 =	sadd.s32 $0xBA00, s0  }
0x12: {  	s0 =	sadd.s32 $0x10A00, s0;
	s24 =	smax.u32 s8, $0x1;
	[dreg:$0x5] =	wrdreg s10  }
0x13: {  	s8 =	simm.s32 $0x7;
	[dreg:$0x6] =	wrdreg s4;
	p1 =	sne.s32 s24, $0x1  }
.Ltmp0:
0x14: {  	[dreg:$0x7] =	wrdreg s18;
	s4 =	sshrl.u32 s21, $0x3;
	(pc) =	sbr.rel @!p1 .LBB2_1-.Ltmp0, $4  }
0x15: {  	[dreg:$0x8] =	wrdreg s0;
	s10 =	simm.s32 $0x12110;
	s18 =	simm.s32 $0x5  }
0x16: {  	s21 =	simm.s32 $0x2328;
	s22 =	sadd.s32 s1, s4;
	s4 =	sshrl.u32 s23, $0x3  }
0x17: {  	s23 =	simm.s32 $0x1B58;
	s1 =	sadd.s32 $0xFFFFFFFF, s24;
	s0 =	rddreg [dreg:$0x5]  }
0x18: {  	s24 =	simm.s32 $0x1F40;
	[dreg:$0x9] =	wrdreg s22;
	s22 =	simm.s32 $0x4  }
0x19: {  	s31 =	rddreg [dreg:$0x6]  }
0x1a: {  	[tilespmem:s7], [sflag:$0x1] =	stream.linear.gather [hbm4b:s0+s7], $0x1388, $0x38;
	[tilespmem:$0x1AF90] =	vst v63  }
0x1b: {  	s19 =	rddreg [dreg:$0x7]  }
0x1c: {  	[tilespmem:s11], [sflag:$0x2] =	stream.linear.gather [hbm4b:s31+s7], $0x1388, $0x38;
	[tilespmem:$0x1AF90] =	vst v63  }
0x1d: {  	[spmem:s30], [sflag:s26] =	dma.local [hbm:s19], $0x500  }
0x1e: {  	s0 =	rddreg [dreg:$0x8]  }
0x1f: {  	[spmem:s4], [sflag:s26] =	dma.local [hbm:s0], $0x500  }
0x20: {  	_ =	swait.ge [sflag:s6], $0x500  }
0x21: {  	[sflag:s6] =	ssyncset.done $0x0  }
0x22: {  	[sflag:s6] =	ssyncadd.s32 $0xFFFFFB00  }
0x23: {  	_ =	swait.ge [sflag:s6], $0x500  }
0x24: {  	[sflag:s6] =	ssyncset.done $0x0  }
0x25: {  	[sflag:s6] =	ssyncadd.s32 $0xFFFFFB00  }
0x26: {  	[bflag:$0x0] =	sbarrier.arrive $0xFFFF  }
0x27: {  	_ =	swait.ge [sflag:s16], $0x1388  }
0x28: {  	[sflag:s16] =	ssyncset.done $0x0  }
0x29: {  	[sflag:s16] =	ssyncadd.s32 $0xFFFFEC78  }
0x2a: {  	_ =	swait.ge [sflag:s13], $0x1388  }
0x2b: {  	[sflag:s13] =	ssyncset.done $0x0  }
0x2c: {  	[sflag:s13] =	ssyncadd.s32 $0xFFFFEC78  }
0x2d: {  	[tilespmem:s17], [sflag:$0x1] =	stream.indirect.gather [spmem:s5], $0x10, s7, s9, $0xb8;
	[tilespmem:$0x1AF90] =	vst v63  }
0x2e: {  	_ = 	snop  }
0x2f: {  	[tilespmem:s15], [sflag:$0x2] =	stream.indirect.gather [spmem:s5], $0x10, s9, s9, $0xb8;
	[tilespmem:$0x1AF90] =	vst v63  }
0x30: {  	s19 =	simm.s32 $0x7D0  }
0x31: {  	[tilespmem:s14], [sflag:$0x3] =	stream.indirect.gather [spmem:s5], $0x10, s19, s9, $0xb8;
	[tilespmem:$0x1AF90] =	vst v63  }
0x32: {  	_ = 	snop  }
0x33: {  	[tilespmem:s12], [sflag:$0x4] =	stream.indirect.gather [spmem:s5], $0x10, s29, s9, $0xb8;
	[tilespmem:$0x1AF90] =	vst v63  }
0x34: {  	_ = 	snop  }
0x35: {  	[tilespmem:s10], [sflag:$0x5] =	stream.indirect.gather [spmem:s5], $0x10, s28, s9, $0xb8;
	[tilespmem:$0x1AF90] =	vst v63  }
0x36: {  	_ =	swait.ge [sflag:s16], $0x3E80  }
0x37: {  	[sflag:s16] =	ssyncset.done $0x0  }
0x38: {  	[sflag:s16] =	ssyncadd.s32 $0xFFFFC180  }
0x39: {  	[spmem:s2] =	stream.indirect.scatter.add.f32 [tilespmem:s17], [sflag:$0x6], $0x10, s11, s9, $0xb8;
	[tilespmem:$0x1AF90] =	vst v63  }
0x3a: {  	_ =	swait.ge [sflag:s13], $0x3E80  }
0x3b: {  	[sflag:s13] =	ssyncset.done $0x0  }
0x3c: {  	[sflag:s13] =	ssyncadd.s32 $0xFFFFC180  }
0x3d: {  	[spmem:s2] =	stream.indirect.scatter.add.f32 [tilespmem:s15], [sflag:$0x6], $0x10, s25, s9, $0xb8;
	[tilespmem:$0x1AF90] =	vst v63  }
0x3e: {  	_ =	swait.ge [sflag:s20], $0x3E80  }
0x3f: {  	[sflag:s20] =	ssyncset.done $0x0  }
0x40: {  	[sflag:s20] =	ssyncadd.s32 $0xFFFFC180  }
0x41: {  	[spmem:s2] =	stream.indirect.scatter.add.f32 [tilespmem:s14], [sflag:$0x6], $0x10, s23, s9, $0xb8;
	[tilespmem:$0x1AF90] =	vst v63  }
0x42: {  	_ =	swait.ge [sflag:s22], $0x3E80  }
0x43: {  	[sflag:s22] =	ssyncset.done $0x0  }
0x44: {  	[sflag:s22] =	ssyncadd.s32 $0xFFFFC180  }
0x45: {  	[spmem:s2] =	stream.indirect.scatter.add.f32 [tilespmem:s12], [sflag:$0x6], $0x10, s24, s9, $0xb8;
	[tilespmem:$0x1AF90] =	vst v63  }
0x46: {  	_ =	swait.ge [sflag:s18], $0x3E80  }
0x47: {  	[sflag:s18] =	ssyncset.done $0x0  }
0x48: {  	[sflag:s18] =	ssyncadd.s32 $0xFFFFC180  }
0x49: {  	[spmem:s2] =	stream.indirect.scatter.add.f32 [tilespmem:s10], [sflag:$0x6], $0x10, s21, s9, $0xb8;
	[tilespmem:$0x1AF90] =	vst v63  }
0x4a: {  	_ =	swait.ge [sflag:s6], $0x3E80  }
0x4b: {  	[sflag:s6] =	ssyncset.done $0x0  }
0x4c: {  	[sflag:s6] =	ssyncadd.s32 $0xFFFFC180  }
0x4d: {  	_ =	swait.ge [sflag:s6], $0x3E80  }
0x4e: {  	[sflag:s6] =	ssyncset.done $0x0  }
0x4f: {  	[sflag:s6] =	ssyncadd.s32 $0xFFFFC180  }
0x50: {  	_ =	swait.ge [sflag:s6], $0x3E80  }
0x51: {  	[sflag:s6] =	ssyncset.done $0x0  }
0x52: {  	[sflag:s6] =	ssyncadd.s32 $0xFFFFC180  }
0x53: {  	_ =	swait.ge [sflag:s6], $0x3E80  }
0x54: {  	[sflag:s6] =	ssyncset.done $0x0  }
0x55: {  	[sflag:s6] =	ssyncadd.s32 $0xFFFFC180  }
0x56: {  	_ =	swait.ge [sflag:s6], $0x3E80  }
0x57: {  	[sflag:s6] =	ssyncset.done $0x0  }
0x58: {  	[sflag:s6] =	ssyncadd.s32 $0xFFFFC180  }
0x59: {  	p1 =	sne.s32 s1, $0x1;
	[bflag:$0x0] =	sbarrier.arrive $0xFFFF  }
.Ltmp1:
0x5a: {  	s19 =	rddreg [dreg:$0x9];
	(pc) =	sbr.rel @!p1 .LBB2_3-.Ltmp1, $4  }
0x5b: {  	s31 =	sor.u32 $0x1C07, s3;
	[dreg:$0xa] =	wrdreg s3  }
0x5c: {  	[hbm:s19], [sflag:s31] =	dma.local [spmem:s4], $0x500  }
0x5d: {  	s1 =	sadd.s32 $0xFFFFFFFF, s1;
	_ =	swait.ge [sflag:s8], $0x500  }
0x5e: {  	p0 =	por $0x1, $0x1;
	s0 =	rddreg [dreg:$0x5];
	[sflag:s8] =	ssyncset.done $0x0  }
.LBB2_4:
0x5f: {  	s3 =	rddreg [dreg:$0x7];
	[sflag:s8] =	ssyncadd.s32 $0xFFFFFB00  }
0x60: {  	[tilespmem:s7], [sflag:$0x1] =	stream.linear.gather [hbm4b:s0+s7], $0x1388, $0x38;
	[tilespmem:$0x1AF90] =	vst v63  }
0x61: {  	s19 =	rddreg [dreg:$0x6]  }
0x62: {  	[tilespmem:s11], [sflag:$0x2] =	stream.linear.gather [hbm4b:s19+s7], $0x1388, $0x38;
	[tilespmem:$0x1AF90] =	vst v63  }
0x63: {  	[spmem:s30], [sflag:s26] =	dma.local [hbm:s3], $0x500  }
0x64: {  	s19 =	rddreg [dreg:$0x8]  }
0x65: {  	[spmem:s4], [sflag:s26] =	dma.local [hbm:s19], $0x500  }
0x66: {  	_ =	swait.ge [sflag:s6], $0x500  }
0x67: {  	[sflag:s6] =	ssyncset.done $0x0  }
0x68: {  	[sflag:s6] =	ssyncadd.s32 $0xFFFFFB00  }
0x69: {  	_ =	swait.ge [sflag:s6], $0x500  }
0x6a: {  	[sflag:s6] =	ssyncset.done $0x0  }
0x6b: {  	[sflag:s6] =	ssyncadd.s32 $0xFFFFFB00  }
0x6c: {  	[bflag:$0x0] =	sbarrier.arrive $0xFFFF  }
0x6d: {  	_ =	swait.ge [sflag:s16], $0x1388  }
0x6e: {  	[sflag:s16] =	ssyncset.done $0x0  }
0x6f: {  	[sflag:s16] =	ssyncadd.s32 $0xFFFFEC78  }
0x70: {  	_ =	swait.ge [sflag:s13], $0x1388  }
0x71: {  	[sflag:s13] =	ssyncset.done $0x0  }
0x72: {  	[sflag:s13] =	ssyncadd.s32 $0xFFFFEC78  }
0x73: {  	[tilespmem:s17], [sflag:$0x1] =	stream.indirect.gather [spmem:s5], $0x10, s7, s9, $0xb8;
	[tilespmem:$0x1AF90] =	vst v63  }
0x74: {  	_ = 	snop  }
0x75: {  	[tilespmem:s15], [sflag:$0x2] =	stream.indirect.gather [spmem:s5], $0x10, s9, s9, $0xb8;
	[tilespmem:$0x1AF90] =	vst v63  }
0x76: {  	s3 =	simm.s32 $0x7D0  }
0x77: {  	[tilespmem:s14], [sflag:$0x3] =	stream.indirect.gather [spmem:s5], $0x10, s3, s9, $0xb8;
	[tilespmem:$0x1AF90] =	vst v63  }
0x78: {  	_ = 	snop  }
0x79: {  	[tilespmem:s12], [sflag:$0x4] =	stream.indirect.gather [spmem:s5], $0x10, s29, s9, $0xb8;
	[tilespmem:$0x1AF90] =	vst v63  }
0x7a: {  	_ = 	snop  }
0x7b: {  	[tilespmem:s10], [sflag:$0x5] =	stream.indirect.gather [spmem:s5], $0x10, s28, s9, $0xb8;
	[tilespmem:$0x1AF90] =	vst v63  }
0x7c: {  	_ =	swait.ge [sflag:s16], $0x3E80  }
0x7d: {  	[sflag:s16] =	ssyncset.done $0x0  }
0x7e: {  	[sflag:s16] =	ssyncadd.s32 $0xFFFFC180  }
0x7f: {  	[spmem:s2] =	stream.indirect.scatter.add.f32 [tilespmem:s17], [sflag:$0x6], $0x10, s11, s9, $0xb8;
	[tilespmem:$0x1AF90] =	vst v63  }
0x80: {  	_ =	swait.ge [sflag:s13], $0x3E80  }
0x81: {  	[sflag:s13] =	ssyncset.done $0x0  }
0x82: {  	[sflag:s13] =	ssyncadd.s32 $0xFFFFC180  }
0x83: {  	[spmem:s2] =	stream.indirect.scatter.add.f32 [tilespmem:s15], [sflag:$0x6], $0x10, s25, s9, $0xb8;
	[tilespmem:$0x1AF90] =	vst v63  }
0x84: {  	_ =	swait.ge [sflag:s20], $0x3E80  }
0x85: {  	[sflag:s20] =	ssyncset.done $0x0  }
0x86: {  	[sflag:s20] =	ssyncadd.s32 $0xFFFFC180  }
0x87: {  	[spmem:s2] =	stream.indirect.scatter.add.f32 [tilespmem:s14], [sflag:$0x6], $0x10, s23, s9, $0xb8;
	[tilespmem:$0x1AF90] =	vst v63  }
0x88: {  	_ =	swait.ge [sflag:s22], $0x3E80  }
0x89: {  	[sflag:s22] =	ssyncset.done $0x0  }
0x8a: {  	[sflag:s22] =	ssyncadd.s32 $0xFFFFC180  }
0x8b: {  	[spmem:s2] =	stream.indirect.scatter.add.f32 [tilespmem:s12], [sflag:$0x6], $0x10, s24, s9, $0xb8;
	[tilespmem:$0x1AF90] =	vst v63  }
0x8c: {  	_ =	swait.ge [sflag:s18], $0x3E80  }
0x8d: {  	[sflag:s18] =	ssyncset.done $0x0  }
0x8e: {  	[sflag:s18] =	ssyncadd.s32 $0xFFFFC180  }
0x8f: {  	[spmem:s2] =	stream.indirect.scatter.add.f32 [tilespmem:s10], [sflag:$0x6], $0x10, s21, s9, $0xb8;
	[tilespmem:$0x1AF90] =	vst v63  }
0x90: {  	_ =	swait.ge [sflag:s6], $0x3E80  }
0x91: {  	[sflag:s6] =	ssyncset.done $0x0  }
0x92: {  	[sflag:s6] =	ssyncadd.s32 $0xFFFFC180  }
0x93: {  	_ =	swait.ge [sflag:s6], $0x3E80  }
0x94: {  	[sflag:s6] =	ssyncset.done $0x0  }
0x95: {  	[sflag:s6] =	ssyncadd.s32 $0xFFFFC180  }
0x96: {  	_ =	swait.ge [sflag:s6], $0x3E80  }
0x97: {  	[sflag:s6] =	ssyncset.done $0x0  }
0x98: {  	[sflag:s6] =	ssyncadd.s32 $0xFFFFC180  }
0x99: {  	_ =	swait.ge [sflag:s6], $0x3E80  }
0x9a: {  	[sflag:s6] =	ssyncset.done $0x0  }
0x9b: {  	[sflag:s6] =	ssyncadd.s32 $0xFFFFC180  }
0x9c: {  	_ =	swait.ge [sflag:s6], $0x3E80  }
0x9d: {  	[sflag:s6] =	ssyncset.done $0x0  }
0x9e: {  	p1 =	sne.s32 s1, $0x1;
	[sflag:s6] =	ssyncadd.s32 $0xFFFFC180  }
.Ltmp2:
0x9f: {  	[bflag:$0x0] =	sbarrier.arrive $0xFFFF;
	(pc) =	sbr.rel @p1 .LBB2_4-.Ltmp2, $4  }
0xa0: {  	s19 =	rddreg [dreg:$0x9]  }
0xa1: {  	[hbm:s19], [sflag:s31] =	dma.local [spmem:s4], $0x500  }
0xa2: {  	_ =	swait.ge [sflag:s8], $0x500  }
0xa3: {  	s1 =	sadd.s32 $0xFFFFFFFF, s1;
	s0 =	rddreg [dreg:$0x5];
	[sflag:s8] =	ssyncset.done $0x0  }
0xa4: {  	s21 =	simm.s32 $0xFA0;
	s29 =	simm.s32 $0xBB8;
	s28 =	simm.s32 $0x7D0  }
0xa5: {  	s25 =	simm.s32 $0x1770;
	s24 =	simm.s32 $0x1F40;
	s31 =	rddreg [dreg:$0x4]  }
0xa6: {  	s23 =	simm.s32 $0x1B58;
	s19 =	stileid.u32;
	s3 =	rddreg [dreg:$0xa]  }
.LBB2_6:
0xa7: {  	[sflag:s8] =	ssyncadd.s32 @p0 $0xFFFFFB00;
	s1 =	rddreg [dreg:$0x7]  }
0xa8: {  	[tilespmem:s7], [sflag:$0x1] =	stream.linear.gather [hbm4b:s0+s7], $0x1388, $0x38;
	[tilespmem:$0x1AF90] =	vst v63  }
0xa9: {  	s0 =	rddreg [dreg:$0x6]  }
0xaa: {  	[tilespmem:s11], [sflag:$0x2] =	stream.linear.gather [hbm4b:s0+s7], $0x1388, $0x38;
	[tilespmem:$0x1AF90] =	vst v63  }
0xab: {  	[spmem:s30], [sflag:s26] =	dma.local [hbm:s1], $0x500  }
0xac: {  	s1 =	rddreg [dreg:$0x8]  }
0xad: {  	[spmem:s4], [sflag:s26] =	dma.local [hbm:s1], $0x500  }
0xae: {  	_ =	swait.ge [sflag:s6], $0x500  }
0xaf: {  	[sflag:s6] =	ssyncset.done $0x0  }
0xb0: {  	[sflag:s6] =	ssyncadd.s32 $0xFFFFFB00  }
0xb1: {  	_ =	swait.ge [sflag:s6], $0x500  }
0xb2: {  	[sflag:s6] =	ssyncset.done $0x0  }
0xb3: {  	[sflag:s6] =	ssyncadd.s32 $0xFFFFFB00  }
0xb4: {  	[bflag:$0x0] =	sbarrier.arrive $0xFFFF  }
0xb5: {  	_ =	swait.ge [sflag:s16], $0x1388  }
0xb6: {  	[sflag:s16] =	ssyncset.done $0x0  }
0xb7: {  	[sflag:s16] =	ssyncadd.s32 $0xFFFFEC78  }
0xb8: {  	_ =	swait.ge [sflag:s13], $0x1388  }
0xb9: {  	[sflag:s13] =	ssyncset.done $0x0  }
0xba: {  	[sflag:s13] =	ssyncadd.s32 $0xFFFFEC78  }
0xbb: {  	[tilespmem:s17], [sflag:$0x1] =	stream.indirect.gather [spmem:s5], $0x10, s7, s9, $0xb8;
	[tilespmem:$0x1AF90] =	vst v63  }
0xbc: {  	_ = 	snop  }
0xbd: {  	[tilespmem:s15], [sflag:$0x2] =	stream.indirect.gather [spmem:s5], $0x10, s9, s9, $0xb8;
	[tilespmem:$0x1AF90] =	vst v63  }
0xbe: {  	_ = 	snop  }
0xbf: {  	[tilespmem:s14], [sflag:$0x3] =	stream.indirect.gather [spmem:s5], $0x10, s28, s9, $0xb8;
	[tilespmem:$0x1AF90] =	vst v63  }
0xc0: {  	_ = 	snop  }
0xc1: {  	[tilespmem:s12], [sflag:$0x4] =	stream.indirect.gather [spmem:s5], $0x10, s29, s9, $0xb8;
	[tilespmem:$0x1AF90] =	vst v63  }
0xc2: {  	_ = 	snop  }
0xc3: {  	[tilespmem:s10], [sflag:$0x5] =	stream.indirect.gather [spmem:s5], $0x10, s21, s9, $0xb8;
	[tilespmem:$0x1AF90] =	vst v63  }
0xc4: {  	_ =	swait.ge [sflag:s16], $0x3E80  }
0xc5: {  	[sflag:s16] =	ssyncset.done $0x0  }
0xc6: {  	[sflag:s16] =	ssyncadd.s32 $0xFFFFC180  }
0xc7: {  	[spmem:s2] =	stream.indirect.scatter.add.f32 [tilespmem:s17], [sflag:$0x6], $0x10, s11, s9, $0xb8;
	[tilespmem:$0x1AF90] =	vst v63  }
0xc8: {  	_ =	swait.ge [sflag:s13], $0x3E80  }
0xc9: {  	[sflag:s13] =	ssyncset.done $0x0  }
0xca: {  	[sflag:s13] =	ssyncadd.s32 $0xFFFFC180  }
0xcb: {  	[spmem:s2] =	stream.indirect.scatter.add.f32 [tilespmem:s15], [sflag:$0x6], $0x10, s25, s9, $0xb8;
	[tilespmem:$0x1AF90] =	vst v63  }
0xcc: {  	_ =	swait.ge [sflag:s20], $0x3E80  }
0xcd: {  	[sflag:s20] =	ssyncset.done $0x0  }
0xce: {  	[sflag:s20] =	ssyncadd.s32 $0xFFFFC180  }
0xcf: {  	[spmem:s2] =	stream.indirect.scatter.add.f32 [tilespmem:s14], [sflag:$0x6], $0x10, s23, s9, $0xb8;
	[tilespmem:$0x1AF90] =	vst v63  }
0xd0: {  	_ =	swait.ge [sflag:s22], $0x3E80  }
0xd1: {  	[sflag:s22] =	ssyncset.done $0x0  }
0xd2: {  	[sflag:s22] =	ssyncadd.s32 $0xFFFFC180  }
0xd3: {  	[spmem:s2] =	stream.indirect.scatter.add.f32 [tilespmem:s12], [sflag:$0x6], $0x10, s24, s9, $0xb8;
	[tilespmem:$0x1AF90] =	vst v63  }
0xd4: {  	_ =	swait.ge [sflag:s18], $0x3E80  }
0xd5: {  	[sflag:s18] =	ssyncset.done $0x0  }
0xd6: {  	s28 =	simm.s32 $0x2328;
	[sflag:s18] =	ssyncadd.s32 $0xFFFFC180  }
0xd7: {  	[spmem:s2] =	stream.indirect.scatter.add.f32 [tilespmem:s10], [sflag:$0x6], $0x10, s28, s9, $0xb8;
	[tilespmem:$0x1AF90] =	vst v63  }
0xd8: {  	_ =	swait.ge [sflag:s6], $0x3E80  }
0xd9: {  	[sflag:s6] =	ssyncset.done $0x0  }
0xda: {  	[sflag:s6] =	ssyncadd.s32 $0xFFFFC180  }
0xdb: {  	_ =	swait.ge [sflag:s6], $0x3E80  }
0xdc: {  	[sflag:s6] =	ssyncset.done $0x0  }
0xdd: {  	[sflag:s6] =	ssyncadd.s32 $0xFFFFC180  }
0xde: {  	_ =	swait.ge [sflag:s6], $0x3E80  }
0xdf: {  	[sflag:s6] =	ssyncset.done $0x0  }
0xe0: {  	[sflag:s6] =	ssyncadd.s32 $0xFFFFC180  }
0xe1: {  	_ =	swait.ge [sflag:s6], $0x3E80  }
0xe2: {  	[sflag:s6] =	ssyncset.done $0x0  }
0xe3: {  	[sflag:s6] =	ssyncadd.s32 $0xFFFFC180  }
0xe4: {  	_ =	swait.ge [sflag:s6], $0x3E80  }
0xe5: {  	[sflag:s6] =	ssyncset.done $0x0  }
0xe6: {  	[sflag:s6] =	ssyncadd.s32 $0xFFFFC180  }
0xe7: {  	[bflag:$0x0] =	sbarrier.arrive $0xFFFF  }
0xe8: {  	s30 =	sor.u32 $0x1C07, s3;
	s29 =	rddreg [dreg:$0x9]  }
0xe9: {  	[hbm:s29], [sflag:s30] =	dma.local [spmem:s4], $0x500  }
0xea: {  	_ =	swait.ge [sflag:s8], $0x500  }
0xeb: {  	[sflag:s8] =	ssyncset.done $0x0  }
0xec: {  	[sflag:s8] =	ssyncadd.s32 $0xFFFFFB00  }
0xed: {  	_ =	sfence.sel $0x180000  }
0xee: {  	[bflag:$0x0] =	sbarrier.arrive $0xFFFF  }
0xef: {  	p0 =	sne.s32 s19, $0x0;
	_ =	strace $0x9000004A  }
0xf0: {  	s0 =	sadd.s32 @!p0 $0x100000, s31;
	[bflag:$0x2] =	sbarrier.arrive $0xFFFF  }
0xf1: {  	[sflag:s0] =	ssyncadd.tile.s32 @!p0 $0x1;
	_ =	shalt  }
.LBB2_1:
.Ltmp3:
0xf2: {  	(pc) =	sbr.rel .LBB2_6-.Ltmp3, $3  }
0xf3: {  	_ =	sdelay $0x1  }
0xf4: {  	s21 =	simm.s32 $0xFA0;
	s29 =	simm.s32 $0xBB8;
	s28 =	simm.s32 $0x7D0  }
0xf5: {  	s25 =	simm.s32 $0x1770;
	s24 =	simm.s32 $0x1F40;
	s23 =	simm.s32 $0x1B58  }
.LBB2_3:
.Ltmp4:
0xf6: {  	(pc) =	sbr.rel .LBB2_6-.Ltmp4, $4  }
0xf7: {  	_ = 	snop  }
0xf8: {  	s21 =	simm.s32 $0xFA0;
	s29 =	simm.s32 $0xBB8;
	s28 =	simm.s32 $0x7D0  }
0xf9: {  	s25 =	simm.s32 $0x1770;
	s24 =	simm.s32 $0x1F40;
	s31 =	rddreg [dreg:$0x4]  }
0xfa: {  	s23 =	simm.s32 $0x1B58;
	s19 =	stileid.u32;
	s3 =	rddreg [dreg:$0xa]  }
.Lfunc_end2:
_tile_overlayer_lowered:
.L_overlay_start_2:
0xfb: {  	(tag) =	ssettag $0x2  }
0xfc: {  	s0 =	rddreg [dreg:$0x0];
	s2 =	stileid.u32  }
0xfd: {  	s1 =	rddreg [dreg:$0x1];
	p0 =	sne.s32 s2, $0x0  }
0xfe: {  	s3 =	rddreg [dreg:$0x2];
	[bflag:$0x3] =	sbarrier.arrive $0xFFFF;
	s2 =	simm.s32 @!p0 $0x1C07  }
0xff: {  	[timem:s3], [sflag:s2] =	dma.local @!p0 [hbm:s0], s1  }
0x100: {  	s0 =	simm.s32 @!p0 $0x7  }
0x101: {  	_ =	swait.ge @!p0 [sflag:s0], s1  }
0x102: {  	s1 =	ssub.s32 @!p0 $0x0, s1;
	[sflag:s0] =	ssyncset.done @!p0 $0x0  }
0x103: {  	[sflag:s0] =	ssyncadd.s32 @!p0 s1  }
0x104: {  	[bflag:$0x3] =	sbarrier.arrive $0xFFFF  }
0x105: {  	_ =	shalt  }

// kernel: kernel.7.cloned.1.call-start
scs
__scs_entry_jumppad:
0x0: {  	(pc) =	sbr.rel $0x88, $3  }
0x1: {  	(tag) =	ssettag $0x0;
	lr =	simm.s32 $0x1  }
0x2: {  	[smem:$0x3F99] =	sst lr;
	_ =	strace $0xD0000000  }
0x3: {  	_ = 	snop  }
0x4: {  	_ = 	snop  }
0x5: {  	_ = 	snop  }
0x6: {  	_ = 	snop  }
0x7: {  	_ = 	snop  }
__scs_overlays_trampoline_lowered:
0x8: {  	[smem:$0x3FA8] =	sst s0  }
0x9: {  	[smem:$0x3FA9] =	sst s1  }
0xa: {  	[smem:$0x3FAA] =	sst s2  }
0xb: {  	[smem:$0x3FAB] =	sst s3  }
0xc: {  	[smem:$0x3FAC] =	sst s4  }
0xd: {  	[smem:$0x3FAD] =	sst s5  }
0xe: {  	[smem:$0x3FAE] =	sst s6  }
0xf: {  	[smem:$0x3FAF] =	sst s7  }
0x10: {  	[smem:$0x3FB0] =	sst s8  }
0x11: {  	[smem:$0x3FB1] =	sst s9;
	s0 =	simm.s32 @!p0 $0x0  }
0x12: {  	s1 =	sld [smem:$0x3F97];
	s0 =	simm.s32 @p0 $0x1  }
0x13: {  	[smem:$0x3FB2] =	sst s0;
	s0 =	simm.s32 @!p1 $0x0  }
0x14: {  	s2 =	sld [smem:$0x3F96];
	s0 =	simm.s32 @p1 $0x1  }
0x15: {  	[smem:$0x3FB3] =	sst s0;
	s0 =	simm.s32 @!p2 $0x0  }
0x16: {  	s3 =	sld [smem:$0x3FDB];
	s0 =	simm.s32 @p2 $0x1  }
0x17: {  	s4 =	simm.s32 $0x1BF5;
	[smem:$0x3FB5] =	sst s0  }
0x18: {  	s0 =	sld [smem:$0x3F98];
	_ =	swait.ge [sflag:s4], $0x0  }
0x19: {  	s7 =	sld [smem:$0x3F99]  }
0x1a: {  	s8 =	sadd.s32 $0xFFFFE003, lr  }
0x1b: {  	s9 =	sadd.s32 $0xFFFFFEF7, lr;
	s5 =	simm.s32 $0xFFFFFFFF;
	p2 =	slt.u32 s8, $0xFFFFF086  }
0x1c: {  	p1 =	slt.u32 s9, $0xF7A;
	s5 =	simm.s32 @!p2 $0x0  }
0x1d: {  	s5 =	simm.s32 @p1 $0x1;
	p0 =	seq.s32 s7, s2  }
0x1e: {  	s7 =	smul.u32 @!p0 $0xF7A, s2;
	p2 =	seq.s32 @!p0 s5, $0x0  }
0x1f: {  	s9 =	smul.u32 $0xF7A, s1;
	s8 =	simm.s32 @!p0 $0x1BF5;
	p2 =	por !p2, p0  }
0x20: {  	[sflag:s8] =	ssyncset.s32 @!p0 $0xFFFFF086;
	s6 =	sadd.s32 @!p0 s3, s7;
	s7 =	simm.s32 @!p0 $0x108  }
0x21: {  	s3 =	sadd.s32 s3, s9;
	s6 =	sadd.s32 @!p0 $0x88, s6;
	s7 =	simm.s32 @p2 $0x1082  }
0x22: {  	[simem:s7], [sflag:s8] =	dma.local @!p0 [hbm:s6], $0xF7A  }
0x23: {  	s9 =	sor.u32 $0xD0000000, s2;
	s6 =	simm.s32 $0x108;
	_ =	swait.ge @!p0 [sflag:s8], $0x0  }
0x24: {  	s3 =	sadd.s32 $0x88, s3;
	s6 =	simm.s32 @!p1 $0x1082;
	[sflag:s4] =	ssyncset.s32 $0xFFFFF086  }
0x25: {  	[simem:s6], [sflag:s4] =	dma.local [hbm:s3], $0xF7A  }
0x26: {  	[smem:$0x3F99] =	sst s1;
	(tag) =	ssettag s2;
	_ =	strace s9  }
0x27: {  	s1 =	sld [smem:$0x3FA9]  }
0x28: {  	s2 =	sld [smem:$0x3FAA]  }
0x29: {  	s4 =	sld [smem:$0x3FAC]  }
0x2a: {  	p0 =	seq.s32 s5, $0x0;
	s5 =	sld [smem:$0x3FAD]  }
0x2b: {  	s6 =	sld [smem:$0x3FAE]  }
0x2c: {  	s7 =	sld [smem:$0x3FAF]  }
0x2d: {  	s3 =	simm.s32 $0x108;
	s8 =	sld [smem:$0x3FB0]  }
0x2e: {  	s3 =	simm.s32 @!p0 $0x1082;
	s9 =	sld [smem:$0x3FB1]  }
0x2f: {  	lr =	sadd.s32 s0, s3;
	s0 =	sld [smem:$0x3FA8]  }
0x30: {  	s3 =	sld [smem:$0x3FAB]  }
0x31: {  	[smem:$0x3FB4] =	sst s10  }
0x32: {  	s10 =	sld [smem:$0x3FB2];
	_ =	sdelay $0x3  }
0x33: {  	p0 =	seq.s32 s10, $0x1;
	s10 =	sld [smem:$0x3FB4];
	_ =	sdelay $0x3  }
0x34: {  	[smem:$0x3FB4] =	sst s10  }
0x35: {  	s10 =	sld [smem:$0x3FB3];
	_ =	sdelay $0x3  }
0x36: {  	p1 =	seq.s32 s10, $0x1;
	s10 =	sld [smem:$0x3FB4];
	_ =	sdelay $0x3  }
0x37: {  	[smem:$0x3FB4] =	sst s10  }
0x38: {  	s10 =	sld [smem:$0x3FB5]  }
0x39: {  	_ = 	snop;
	(pc) =	sbr.ind lr, $3  }
0x3a: {  	_ = 	snop  }
0x3b: {  	_ = 	snop  }
0x3c: {  	p2 =	seq.s32 s10, $0x1;
	s10 =	sld [smem:$0x3FB4]  }
0x3d: {  	_ =	shalt  }
0x3e: {  	_ =	shalt  }
0x3f: {  	_ =	shalt  }
0x40: {  	_ =	shalt  }
0x41: {  	_ =	shalt  }
0x42: {  	_ =	shalt  }
0x43: {  	_ =	shalt  }
0x44: {  	_ =	shalt  }
0x45: {  	_ =	shalt  }
0x46: {  	_ =	shalt  }
0x47: {  	_ =	shalt  }
0x48: {  	_ =	shalt  }
0x49: {  	_ =	shalt  }
0x4a: {  	_ =	shalt  }
0x4b: {  	_ =	shalt  }
0x4c: {  	_ =	shalt  }
0x4d: {  	_ =	shalt  }
0x4e: {  	_ =	shalt  }
0x4f: {  	_ =	shalt  }
0x50: {  	_ =	shalt  }
0x51: {  	_ =	shalt  }
0x52: {  	_ =	shalt  }
0x53: {  	_ =	shalt  }
0x54: {  	_ =	shalt  }
0x55: {  	_ =	shalt  }
0x56: {  	_ =	shalt  }
0x57: {  	_ =	shalt  }
0x58: {  	_ =	shalt  }
0x59: {  	_ =	shalt  }
0x5a: {  	_ =	shalt  }
0x5b: {  	_ =	shalt  }
0x5c: {  	_ =	shalt  }
0x5d: {  	_ =	shalt  }
0x5e: {  	_ =	shalt  }
0x5f: {  	_ =	shalt  }
0x60: {  	_ =	shalt  }
0x61: {  	_ =	shalt  }
0x62: {  	_ =	shalt  }
0x63: {  	_ =	shalt  }
0x64: {  	_ =	shalt  }
0x65: {  	_ =	shalt  }
0x66: {  	_ =	shalt  }
0x67: {  	_ =	shalt  }
0x68: {  	_ =	shalt  }
0x69: {  	_ =	shalt  }
0x6a: {  	_ =	shalt  }
0x6b: {  	_ =	shalt  }
0x6c: {  	_ =	shalt  }
0x6d: {  	_ =	shalt  }
0x6e: {  	_ =	shalt  }
0x6f: {  	_ =	shalt  }
0x70: {  	_ =	shalt  }
0x71: {  	_ =	shalt  }
0x72: {  	_ =	shalt  }
0x73: {  	_ =	shalt  }
0x74: {  	_ =	shalt  }
0x75: {  	_ =	shalt  }
0x76: {  	_ =	shalt  }
0x77: {  	_ =	shalt  }
0x78: {  	_ =	shalt  }
0x79: {  	_ =	shalt  }
0x7a: {  	_ =	shalt  }
0x7b: {  	_ =	shalt  }
0x7c: {  	_ =	shalt  }
0x7d: {  	_ =	shalt  }
0x7e: {  	_ =	shalt  }
0x7f: {  	_ =	shalt  }
0x80: {  	_ =	shalt  }
0x81: {  	_ =	shalt  }
0x82: {  	_ =	shalt  }
0x83: {  	_ =	shalt  }
0x84: {  	_ =	shalt  }
0x85: {  	_ =	shalt  }
0x86: {  	_ =	shalt  }
0x87: {  	_ =	shalt  }
.Lfunc_end0:
.L_simem_size_0:
called_computation_lowered:
.L_overlay_start_0:
0x88: {  	s2 =	sld [smem:$0x3FD9]  }
0x89: {  	s3 =	sld [smem:$0x3FFE];
	_ =	sdelay $0x1  }
0x8a: {  	s1 =	srdreg.scid  }
0x8b: {  	s0 =	sand.u32 $0x1, s1  }
0x8c: {  	s17 =	sshll.u32 s0, $0xA;
	s2 =	sadd.s32 s3, s2  }
0x8d: {  	s2 =	sadd.s32 s2, s17  }
0x8e: {  	[smem:$0x3FC0] =	sst s2  }
0x8f: {  	_ = 	snop  }
0x90: {  	s2 =	sld [smem:$0x3FD0];
	(tm) =	ssettm $0x1  }
0x91: {  	s18 =	sld [smem:$0x3FFB];
	_ =	sdelay $0x3  }
0x92: {  	_ =	strace s18  }
0x93: {  	s3 =	sld [smem:$0x3FFC];
	_ =	sdelay $0x3  }
0x94: {  	_ =	strace s3  }
0x95: {  	s3 =	sld [smem:$0x3FFD];
	_ =	sdelay $0x3  }
0x96: {  	_ =	strace s3  }
0x97: {  	_ =	strace $0x8FFFFFFF  }
0x98: {  	s19 =	sld [smem:$0x3FDB];
	_ =	sdelay $0x1  }
0x99: {  	s4 =	simm.s32 $_scs_section_size  }
0x9a: {  	s5 =	simm.s32 $_size__tile_overlayer_lowered;
	s6 =	simm.s32 $_tile_overlayer_lowered  }
0x9b: {  	s22 =	simm.s32 $0x1BFF;
	s21 =	sshll.u32 s6, $0x1;
	s3 =	sadd.s32 s4, s19  }
0x9c: {  	s7 =	simm.s32 $0x0;
	s20 =	sshll.u32 s5, $0x1;
	s5 =	sadd.s32 s21, s3  }
0x9d: {  	[timem:s7], [sflag:s22] =	dma.local [hbm:s5], s20  }
0x9e: {  	_ =	swait.ge [sflag:s22], s20  }
0x9f: {  	s4 =	ssub.s32 $0x0, s20;
	[sflag:s22] =	ssyncset.done $0x0  }
0xa0: {  	[sflag:s22] =	ssyncadd.s32 s4;
	_ =	sdelay $0x1  }
0xa1: {  	s23 =	simm.s32 $0x1B8B  }
0xa2: {  	_ =	swait.ge [sflag:s23], $0x1  }
0xa3: {  	[sflag:s23] =	ssyncset.done $0x0  }
0xa4: {  	s25 =	simm.s32 $0x1B8E;
	s24 =	sld [smem:$0x3FFE];
	[sflag:s23] =	ssyncadd.s32 $0xFFFFFFFF  }
0xa5: {  	s26 =	simm.s32 $execute0_lowered;
	[smem:$0x3FD2] =	sst s25  }
0xa6: {  	s5 =	sshll.u32 s26, $0x1;
	_ =	strace $0x80000046;
	[dreg:$0x1] =	wrdreg $0xFFFFFFFF  }
0xa7: {  	s28 =	simm.s32 $_size_execute0_lowered;
	s3 =	sadd.s32 s3, s5;
	[dreg:$0x0] =	wrdreg $0x0  }
0xa8: {  	s5 =	sshll.u32 s28, $0x1;
	[dreg:$0x2] =	wrdreg s3  }
0xa9: {  	[dreg:$0x3] =	wrdreg s5  }
0xaa: {  	[dreg:$0x4] =	wrdreg $0xC0  }
0xab: {  	_ =	task [dreg:s7], $0x5FFFF  }
0xac: {  	[dreg:$0x1] =	wrdreg $0xFFFFFFFF  }
0xad: {  	[dreg:$0x0] =	wrdreg $0x60  }
0xae: {  	[dreg:$0x2] =	wrdreg s24  }
0xaf: {  	[dreg:$0x3] =	wrdreg s2  }
0xb0: {  	[dreg:$0x4] =	wrdreg $0x187900  }
0xb1: {  	[dreg:$0x5] =	wrdreg $0x15F900  }
0xb2: {  	[dreg:$0x6] =	wrdreg $0x9  }
0xb3: {  	_ =	task.clear_ibuf [dreg:s7], $0x7FFFF;
	_ =	strace $0x90000046  }
0xb4: {  	s29 =	simm.s32 $0x9;
	_ =	strace $0x80000048  }
0xb5: {  	_ =	swait.ge [sflag:s29], $0x1  }
0xb6: {  	[sflag:s29] =	ssyncadd.s32 $0xFFFFFFFF  }
0xb7: {  	_ =	strace $0x90000048  }
0xb8: {  	_ =	sfence  }
0xb9: {  	s30 =	sld [smem:$0x0];
	_ =	sdelay $0x2  }
0xba: {  	s31 =	sshll.u32 s1, $0xD;
	s1 =	sshrl.u32 s1, $0x2  }
0xbb: {  	s3 =	sand.u32 $0x4000, s31;
	s1 =	sadd.s32 s1, s30  }
0xbc: {  	s0 =	sor.u32 s3, s0;
	s1 =	sshll.u32 s1, $0x11  }
0xbd: {  	s0 =	sor.u32 s1, s0  }
0xbe: {  	s0 =	sadd.s32 $0x8F2B, s0  }
0xbf: {  	[sflag:s0] =	ssyncadd.remote.s32 $0x1  }
0xc0: {  	_ =	sfence.sel $0xFFFF  }
0xc1: {  	[dreg:$0x0] =	wrdreg $0xFFFFFFFF;
	(pc) =	sbr.abs _section_cstart, $3  }
0xc2: {  	[dreg:$0x1] =	wrdreg $0xFFFFFFFF  }
0xc3: {  	_ =	task.clear_ibuf [dreg:s7], $0x2FFFF;
	_ =	strace $0x9FFFFFFF  }
0xc4: {  	(tm) =	ssettm $0x7FFFFFFF  }
0xc5: {  	_ =	shalt  }
tec
execute0_lowered:
.L_overlay_start_1:
0x0: {  	(tag) =	ssettag $0x1  }
0x1: {  	s0 =	rddreg [dreg:$0x0]  }
0x2: {  	s1 =	rddreg [dreg:$0x1]  }
0x3: {  	s2 =	srdreg.scid;
	s5 =	rddreg [dreg:$0x2]  }
0x4: {  	s19 =	stileid.u32;
	s31 =	rddreg [dreg:$0x4];
	s7 =	simm.s32 $0x0  }
0x5: {  	s11 =	simm.s32 $0x1388;
	s16 =	simm.s32 $0x1;
	s13 =	simm.s32 $0x2  }
0x6: {  	s15 =	simm.s32 $0x6590;
	s14 =	simm.s32 $0xA410;
	s29 =	simm.s32 $0xBB8  }
0x7: {  	s12 =	simm.s32 $0xE290;
	s28 =	simm.s32 $0xFA0;
	s25 =	simm.s32 $0x1770  }
0x8: {  	p0 =	por $0x0, $0x0;
	s3 =	sand.u32 $0x1, s2;
	s2 =	rddreg [dreg:$0x3]  }
0x9: {  	s4 =	sshll.u32 s19, $0x1;
	[smem:$0x7FF] =	sst s7;
	s6 =	smul.u32 $0x2800, s19  }
0xa: {  	s4 =	sor.u32 s3, s4;
	s9 =	ssub.s32 $0x2, s3;
	s3 =	smul.u32 $0x28000, s3  }
0xb: {  	_ =	strace $0x80000047;
	s4 =	smul.u32 $0x1388, s4;
	s8 =	sshrl.u32 s6, $0x3  }
0xc: {  	s17 =	sshrl.u32 s9, $0x1;
	s20 =	sadd.s32 s6, s5;
	s23 =	sadd.s32 s6, s2  }
0xd: {  	s21 =	sadd.s32 s6, s3;
	s3 =	sshll.u32 s19, $0x6;
	s30 =	sshrl.u32 s20, $0x3  }
0xe: {  	s6 =	simm.s32 $0x6;
	s20 =	simm.s32 $0x3;
	s4 =	sshrl.u32 s4, $0x3  }
0xf: {  	s26 =	sor.u32 $0x1C06, s3;
	s4 =	sadd.s32 s4, s0;
	s0 =	sadd.s32 s8, s0  }
0x10: {  	s8 =	ssub.s32 s9, s17;
	s9 =	simm.s32 $0x3E8;
	s17 =	simm.s32 $0x2710  }
0x11: {  	s10 =	sadd.s32 $0x1C00, s4;
	s4 =	sadd.s32 $0x6A20, s4;
	s18 =	sadd.s32 $0xBA00, s0  }
0x12: {  	s0 =	sadd.s32 $0x10A00, s0;
	s24 =	smax.u32 s8, $0x1;
	[dreg:$0x5] =	wrdreg s10  }
0x13: {  	s8 =	simm.s32 $0x7;
	[dreg:$0x6] =	wrdreg s4;
	p1 =	sne.s32 s24, $0x1  }
.Ltmp0:
0x14: {  	[dreg:$0x7] =	wrdreg s18;
	s4 =	sshrl.u32 s21, $0x3;
	(pc) =	sbr.rel @!p1 .LBB2_1-.Ltmp0, $4  }
0x15: {  	[dreg:$0x8] =	wrdreg s0;
	s10 =	simm.s32 $0x12110;
	s18 =	simm.s32 $0x5  }
0x16: {  	s21 =	simm.s32 $0x2328;
	s22 =	sadd.s32 s1, s4;
	s4 =	sshrl.u32 s23, $0x3  }
0x17: {  	s23 =	simm.s32 $0x1B58;
	s1 =	sadd.s32 $0xFFFFFFFF, s24;
	s0 =	rddreg [dreg:$0x5]  }
0x18: {  	s24 =	simm.s32 $0x1F40;
	[dreg:$0x9] =	wrdreg s22;
	s22 =	simm.s32 $0x4  }
0x19: {  	s31 =	rddreg [dreg:$0x6]  }
0x1a: {  	[tilespmem:s7], [sflag:$0x1] =	stream.linear.gather [hbm4b:s0+s7], $0x1388, $0x38;
	[tilespmem:$0x1AF90] =	vst v63  }
0x1b: {  	s19 =	rddreg [dreg:$0x7]  }
0x1c: {  	[tilespmem:s11], [sflag:$0x2] =	stream.linear.gather [hbm4b:s31+s7], $0x1388, $0x38;
	[tilespmem:$0x1AF90] =	vst v63  }
0x1d: {  	[spmem:s30], [sflag:s26] =	dma.local [hbm:s19], $0x500  }
0x1e: {  	s0 =	rddreg [dreg:$0x8]  }
0x1f: {  	[spmem:s4], [sflag:s26] =	dma.local [hbm:s0], $0x500  }
0x20: {  	_ =	swait.ge [sflag:s6], $0x500  }
0x21: {  	[sflag:s6] =	ssyncset.done $0x0  }
0x22: {  	[sflag:s6] =	ssyncadd.s32 $0xFFFFFB00  }
0x23: {  	_ =	swait.ge [sflag:s6], $0x500  }
0x24: {  	[sflag:s6] =	ssyncset.done $0x0  }
0x25: {  	[sflag:s6] =	ssyncadd.s32 $0xFFFFFB00  }
0x26: {  	[bflag:$0x0] =	sbarrier.arrive $0xFFFF  }
0x27: {  	_ =	swait.ge [sflag:s16], $0x1388  }
0x28: {  	[sflag:s16] =	ssyncset.done $0x0  }
0x29: {  	[sflag:s16] =	ssyncadd.s32 $0xFFFFEC78  }
0x2a: {  	_ =	swait.ge [sflag:s13], $0x1388  }
0x2b: {  	[sflag:s13] =	ssyncset.done $0x0  }
0x2c: {  	[sflag:s13] =	ssyncadd.s32 $0xFFFFEC78  }
0x2d: {  	[tilespmem:s17], [sflag:$0x1] =	stream.indirect.gather [spmem:s5], $0x10, s7, s9, $0xb8;
	[tilespmem:$0x1AF90] =	vst v63  }
0x2e: {  	_ = 	snop  }
0x2f: {  	[tilespmem:s15], [sflag:$0x2] =	stream.indirect.gather [spmem:s5], $0x10, s9, s9, $0xb8;
	[tilespmem:$0x1AF90] =	vst v63  }
0x30: {  	s19 =	simm.s32 $0x7D0  }
0x31: {  	[tilespmem:s14], [sflag:$0x3] =	stream.indirect.gather [spmem:s5], $0x10, s19, s9, $0xb8;
	[tilespmem:$0x1AF90] =	vst v63  }
0x32: {  	_ = 	snop  }
0x33: {  	[tilespmem:s12], [sflag:$0x4] =	stream.indirect.gather [spmem:s5], $0x10, s29, s9, $0xb8;
	[tilespmem:$0x1AF90] =	vst v63  }
0x34: {  	_ = 	snop  }
0x35: {  	[tilespmem:s10], [sflag:$0x5] =	stream.indirect.gather [spmem:s5], $0x10, s28, s9, $0xb8;
	[tilespmem:$0x1AF90] =	vst v63  }
0x36: {  	_ =	swait.ge [sflag:s16], $0x3E80  }
0x37: {  	[sflag:s16] =	ssyncset.done $0x0  }
0x38: {  	[sflag:s16] =	ssyncadd.s32 $0xFFFFC180  }
0x39: {  	[spmem:s2] =	stream.indirect.scatter.add.f32 [tilespmem:s17], [sflag:$0x6], $0x10, s11, s9, $0xb8;
	[tilespmem:$0x1AF90] =	vst v63  }
0x3a: {  	_ =	swait.ge [sflag:s13], $0x3E80  }
0x3b: {  	[sflag:s13] =	ssyncset.done $0x0  }
0x3c: {  	[sflag:s13] =	ssyncadd.s32 $0xFFFFC180  }
0x3d: {  	[spmem:s2] =	stream.indirect.scatter.add.f32 [tilespmem:s15], [sflag:$0x6], $0x10, s25, s9, $0xb8;
	[tilespmem:$0x1AF90] =	vst v63  }
0x3e: {  	_ =	swait.ge [sflag:s20], $0x3E80  }
0x3f: {  	[sflag:s20] =	ssyncset.done $0x0  }
0x40: {  	[sflag:s20] =	ssyncadd.s32 $0xFFFFC180  }
0x41: {  	[spmem:s2] =	stream.indirect.scatter.add.f32 [tilespmem:s14], [sflag:$0x6], $0x10, s23, s9, $0xb8;
	[tilespmem:$0x1AF90] =	vst v63  }
0x42: {  	_ =	swait.ge [sflag:s22], $0x3E80  }
0x43: {  	[sflag:s22] =	ssyncset.done $0x0  }
0x44: {  	[sflag:s22] =	ssyncadd.s32 $0xFFFFC180  }
0x45: {  	[spmem:s2] =	stream.indirect.scatter.add.f32 [tilespmem:s12], [sflag:$0x6], $0x10, s24, s9, $0xb8;
	[tilespmem:$0x1AF90] =	vst v63  }
0x46: {  	_ =	swait.ge [sflag:s18], $0x3E80  }
0x47: {  	[sflag:s18] =	ssyncset.done $0x0  }
0x48: {  	[sflag:s18] =	ssyncadd.s32 $0xFFFFC180  }
0x49: {  	[spmem:s2] =	stream.indirect.scatter.add.f32 [tilespmem:s10], [sflag:$0x6], $0x10, s21, s9, $0xb8;
	[tilespmem:$0x1AF90] =	vst v63  }
0x4a: {  	_ =	swait.ge [sflag:s6], $0x3E80  }
0x4b: {  	[sflag:s6] =	ssyncset.done $0x0  }
0x4c: {  	[sflag:s6] =	ssyncadd.s32 $0xFFFFC180  }
0x4d: {  	_ =	swait.ge [sflag:s6], $0x3E80  }
0x4e: {  	[sflag:s6] =	ssyncset.done $0x0  }
0x4f: {  	[sflag:s6] =	ssyncadd.s32 $0xFFFFC180  }
0x50: {  	_ =	swait.ge [sflag:s6], $0x3E80  }
0x51: {  	[sflag:s6] =	ssyncset.done $0x0  }
0x52: {  	[sflag:s6] =	ssyncadd.s32 $0xFFFFC180  }
0x53: {  	_ =	swait.ge [sflag:s6], $0x3E80  }
0x54: {  	[sflag:s6] =	ssyncset.done $0x0  }
0x55: {  	[sflag:s6] =	ssyncadd.s32 $0xFFFFC180  }
0x56: {  	_ =	swait.ge [sflag:s6], $0x3E80  }
0x57: {  	[sflag:s6] =	ssyncset.done $0x0  }
0x58: {  	[sflag:s6] =	ssyncadd.s32 $0xFFFFC180  }
0x59: {  	p1 =	sne.s32 s1, $0x1;
	[bflag:$0x0] =	sbarrier.arrive $0xFFFF  }
.Ltmp1:
0x5a: {  	s19 =	rddreg [dreg:$0x9];
	(pc) =	sbr.rel @!p1 .LBB2_3-.Ltmp1, $4  }
0x5b: {  	s31 =	sor.u32 $0x1C07, s3;
	[dreg:$0xa] =	wrdreg s3  }
0x5c: {  	[hbm:s19], [sflag:s31] =	dma.local [spmem:s4], $0x500  }
0x5d: {  	s1 =	sadd.s32 $0xFFFFFFFF, s1;
	_ =	swait.ge [sflag:s8], $0x500  }
0x5e: {  	p0 =	por $0x1, $0x1;
	s0 =	rddreg [dreg:$0x5];
	[sflag:s8] =	ssyncset.done $0x0  }
.LBB2_4:
0x5f: {  	s3 =	rddreg [dreg:$0x7];
	[sflag:s8] =	ssyncadd.s32 $0xFFFFFB00  }
0x60: {  	[tilespmem:s7], [sflag:$0x1] =	stream.linear.gather [hbm4b:s0+s7], $0x1388, $0x38;
	[tilespmem:$0x1AF90] =	vst v63  }
0x61: {  	s19 =	rddreg [dreg:$0x6]  }
0x62: {  	[tilespmem:s11], [sflag:$0x2] =	stream.linear.gather [hbm4b:s19+s7], $0x1388, $0x38;
	[tilespmem:$0x1AF90] =	vst v63  }
0x63: {  	[spmem:s30], [sflag:s26] =	dma.local [hbm:s3], $0x500  }
0x64: {  	s19 =	rddreg [dreg:$0x8]  }
0x65: {  	[spmem:s4], [sflag:s26] =	dma.local [hbm:s19], $0x500  }
0x66: {  	_ =	swait.ge [sflag:s6], $0x500  }
0x67: {  	[sflag:s6] =	ssyncset.done $0x0  }
0x68: {  	[sflag:s6] =	ssyncadd.s32 $0xFFFFFB00  }
0x69: {  	_ =	swait.ge [sflag:s6], $0x500  }
0x6a: {  	[sflag:s6] =	ssyncset.done $0x0  }
0x6b: {  	[sflag:s6] =	ssyncadd.s32 $0xFFFFFB00  }
0x6c: {  	[bflag:$0x0] =	sbarrier.arrive $0xFFFF  }
0x6d: {  	_ =	swait.ge [sflag:s16], $0x1388  }
0x6e: {  	[sflag:s16] =	ssyncset.done $0x0  }
0x6f: {  	[sflag:s16] =	ssyncadd.s32 $0xFFFFEC78  }
0x70: {  	_ =	swait.ge [sflag:s13], $0x1388  }
0x71: {  	[sflag:s13] =	ssyncset.done $0x0  }
0x72: {  	[sflag:s13] =	ssyncadd.s32 $0xFFFFEC78  }
0x73: {  	[tilespmem:s17], [sflag:$0x1] =	stream.indirect.gather [spmem:s5], $0x10, s7, s9, $0xb8;
	[tilespmem:$0x1AF90] =	vst v63  }
0x74: {  	_ = 	snop  }
0x75: {  	[tilespmem:s15], [sflag:$0x2] =	stream.indirect.gather [spmem:s5], $0x10, s9, s9, $0xb8;
	[tilespmem:$0x1AF90] =	vst v63  }
0x76: {  	s3 =	simm.s32 $0x7D0  }
0x77: {  	[tilespmem:s14], [sflag:$0x3] =	stream.indirect.gather [spmem:s5], $0x10, s3, s9, $0xb8;
	[tilespmem:$0x1AF90] =	vst v63  }
0x78: {  	_ = 	snop  }
0x79: {  	[tilespmem:s12], [sflag:$0x4] =	stream.indirect.gather [spmem:s5], $0x10, s29, s9, $0xb8;
	[tilespmem:$0x1AF90] =	vst v63  }
0x7a: {  	_ = 	snop  }
0x7b: {  	[tilespmem:s10], [sflag:$0x5] =	stream.indirect.gather [spmem:s5], $0x10, s28, s9, $0xb8;
	[tilespmem:$0x1AF90] =	vst v63  }
0x7c: {  	_ =	swait.ge [sflag:s16], $0x3E80  }
0x7d: {  	[sflag:s16] =	ssyncset.done $0x0  }
0x7e: {  	[sflag:s16] =	ssyncadd.s32 $0xFFFFC180  }
0x7f: {  	[spmem:s2] =	stream.indirect.scatter.add.f32 [tilespmem:s17], [sflag:$0x6], $0x10, s11, s9, $0xb8;
	[tilespmem:$0x1AF90] =	vst v63  }
0x80: {  	_ =	swait.ge [sflag:s13], $0x3E80  }
0x81: {  	[sflag:s13] =	ssyncset.done $0x0  }
0x82: {  	[sflag:s13] =	ssyncadd.s32 $0xFFFFC180  }
0x83: {  	[spmem:s2] =	stream.indirect.scatter.add.f32 [tilespmem:s15], [sflag:$0x6], $0x10, s25, s9, $0xb8;
	[tilespmem:$0x1AF90] =	vst v63  }
0x84: {  	_ =	swait.ge [sflag:s20], $0x3E80  }
0x85: {  	[sflag:s20] =	ssyncset.done $0x0  }
0x86: {  	[sflag:s20] =	ssyncadd.s32 $0xFFFFC180  }
0x87: {  	[spmem:s2] =	stream.indirect.scatter.add.f32 [tilespmem:s14], [sflag:$0x6], $0x10, s23, s9, $0xb8;
	[tilespmem:$0x1AF90] =	vst v63  }
0x88: {  	_ =	swait.ge [sflag:s22], $0x3E80  }
0x89: {  	[sflag:s22] =	ssyncset.done $0x0  }
0x8a: {  	[sflag:s22] =	ssyncadd.s32 $0xFFFFC180  }
0x8b: {  	[spmem:s2] =	stream.indirect.scatter.add.f32 [tilespmem:s12], [sflag:$0x6], $0x10, s24, s9, $0xb8;
	[tilespmem:$0x1AF90] =	vst v63  }
0x8c: {  	_ =	swait.ge [sflag:s18], $0x3E80  }
0x8d: {  	[sflag:s18] =	ssyncset.done $0x0  }
0x8e: {  	[sflag:s18] =	ssyncadd.s32 $0xFFFFC180  }
0x8f: {  	[spmem:s2] =	stream.indirect.scatter.add.f32 [tilespmem:s10], [sflag:$0x6], $0x10, s21, s9, $0xb8;
	[tilespmem:$0x1AF90] =	vst v63  }
0x90: {  	_ =	swait.ge [sflag:s6], $0x3E80  }
0x91: {  	[sflag:s6] =	ssyncset.done $0x0  }
0x92: {  	[sflag:s6] =	ssyncadd.s32 $0xFFFFC180  }
0x93: {  	_ =	swait.ge [sflag:s6], $0x3E80  }
0x94: {  	[sflag:s6] =	ssyncset.done $0x0  }
0x95: {  	[sflag:s6] =	ssyncadd.s32 $0xFFFFC180  }
0x96: {  	_ =	swait.ge [sflag:s6], $0x3E80  }
0x97: {  	[sflag:s6] =	ssyncset.done $0x0  }
0x98: {  	[sflag:s6] =	ssyncadd.s32 $0xFFFFC180  }
0x99: {  	_ =	swait.ge [sflag:s6], $0x3E80  }
0x9a: {  	[sflag:s6] =	ssyncset.done $0x0  }
0x9b: {  	[sflag:s6] =	ssyncadd.s32 $0xFFFFC180  }
0x9c: {  	_ =	swait.ge [sflag:s6], $0x3E80  }
0x9d: {  	[sflag:s6] =	ssyncset.done $0x0  }
0x9e: {  	p1 =	sne.s32 s1, $0x1;
	[sflag:s6] =	ssyncadd.s32 $0xFFFFC180  }
.Ltmp2:
0x9f: {  	[bflag:$0x0] =	sbarrier.arrive $0xFFFF;
	(pc) =	sbr.rel @p1 .LBB2_4-.Ltmp2, $4  }
0xa0: {  	s19 =	rddreg [dreg:$0x9]  }
0xa1: {  	[hbm:s19], [sflag:s31] =	dma.local [spmem:s4], $0x500  }
0xa2: {  	_ =	swait.ge [sflag:s8], $0x500  }
0xa3: {  	s1 =	sadd.s32 $0xFFFFFFFF, s1;
	s0 =	rddreg [dreg:$0x5];
	[sflag:s8] =	ssyncset.done $0x0  }
0xa4: {  	s21 =	simm.s32 $0xFA0;
	s29 =	simm.s32 $0xBB8;
	s28 =	simm.s32 $0x7D0  }
0xa5: {  	s25 =	simm.s32 $0x1770;
	s24 =	simm.s32 $0x1F40;
	s31 =	rddreg [dreg:$0x4]  }
0xa6: {  	s23 =	simm.s32 $0x1B58;
	s19 =	stileid.u32;
	s3 =	rddreg [dreg:$0xa]  }
.LBB2_6:
0xa7: {  	[sflag:s8] =	ssyncadd.s32 @p0 $0xFFFFFB00;
	s1 =	rddreg [dreg:$0x7]  }
0xa8: {  	[tilespmem:s7], [sflag:$0x1] =	stream.linear.gather [hbm4b:s0+s7], $0x1388, $0x38;
	[tilespmem:$0x1AF90] =	vst v63  }
0xa9: {  	s0 =	rddreg [dreg:$0x6]  }
0xaa: {  	[tilespmem:s11], [sflag:$0x2] =	stream.linear.gather [hbm4b:s0+s7], $0x1388, $0x38;
	[tilespmem:$0x1AF90] =	vst v63  }
0xab: {  	[spmem:s30], [sflag:s26] =	dma.local [hbm:s1], $0x500  }
0xac: {  	s1 =	rddreg [dreg:$0x8]  }
0xad: {  	[spmem:s4], [sflag:s26] =	dma.local [hbm:s1], $0x500  }
0xae: {  	_ =	swait.ge [sflag:s6], $0x500  }
0xaf: {  	[sflag:s6] =	ssyncset.done $0x0  }
0xb0: {  	[sflag:s6] =	ssyncadd.s32 $0xFFFFFB00  }
0xb1: {  	_ =	swait.ge [sflag:s6], $0x500  }
0xb2: {  	[sflag:s6] =	ssyncset.done $0x0  }
0xb3: {  	[sflag:s6] =	ssyncadd.s32 $0xFFFFFB00  }
0xb4: {  	[bflag:$0x0] =	sbarrier.arrive $0xFFFF  }
0xb5: {  	_ =	swait.ge [sflag:s16], $0x1388  }
0xb6: {  	[sflag:s16] =	ssyncset.done $0x0  }
0xb7: {  	[sflag:s16] =	ssyncadd.s32 $0xFFFFEC78  }
0xb8: {  	_ =	swait.ge [sflag:s13], $0x1388  }
0xb9: {  	[sflag:s13] =	ssyncset.done $0x0  }
0xba: {  	[sflag:s13] =	ssyncadd.s32 $0xFFFFEC78  }
0xbb: {  	[tilespmem:s17], [sflag:$0x1] =	stream.indirect.gather [spmem:s5], $0x10, s7, s9, $0xb8;
	[tilespmem:$0x1AF90] =	vst v63  }
0xbc: {  	_ = 	snop  }
0xbd: {  	[tilespmem:s15], [sflag:$0x2] =	stream.indirect.gather [spmem:s5], $0x10, s9, s9, $0xb8;
	[tilespmem:$0x1AF90] =	vst v63  }
0xbe: {  	_ = 	snop  }
0xbf: {  	[tilespmem:s14], [sflag:$0x3] =	stream.indirect.gather [spmem:s5], $0x10, s28, s9, $0xb8;
	[tilespmem:$0x1AF90] =	vst v63  }
0xc0: {  	_ = 	snop  }
0xc1: {  	[tilespmem:s12], [sflag:$0x4] =	stream.indirect.gather [spmem:s5], $0x10, s29, s9, $0xb8;
	[tilespmem:$0x1AF90] =	vst v63  }
0xc2: {  	_ = 	snop  }
0xc3: {  	[tilespmem:s10], [sflag:$0x5] =	stream.indirect.gather [spmem:s5], $0x10, s21, s9, $0xb8;
	[tilespmem:$0x1AF90] =	vst v63  }
0xc4: {  	_ =	swait.ge [sflag:s16], $0x3E80  }
0xc5: {  	[sflag:s16] =	ssyncset.done $0x0  }
0xc6: {  	[sflag:s16] =	ssyncadd.s32 $0xFFFFC180  }
0xc7: {  	[spmem:s2] =	stream.indirect.scatter.add.f32 [tilespmem:s17], [sflag:$0x6], $0x10, s11, s9, $0xb8;
	[tilespmem:$0x1AF90] =	vst v63  }
0xc8: {  	_ =	swait.ge [sflag:s13], $0x3E80  }
0xc9: {  	[sflag:s13] =	ssyncset.done $0x0  }
0xca: {  	[sflag:s13] =	ssyncadd.s32 $0xFFFFC180  }
0xcb: {  	[spmem:s2] =	stream.indirect.scatter.add.f32 [tilespmem:s15], [sflag:$0x6], $0x10, s25, s9, $0xb8;
	[tilespmem:$0x1AF90] =	vst v63  }
0xcc: {  	_ =	swait.ge [sflag:s20], $0x3E80  }
0xcd: {  	[sflag:s20] =	ssyncset.done $0x0  }
0xce: {  	[sflag:s20] =	ssyncadd.s32 $0xFFFFC180  }
0xcf: {  	[spmem:s2] =	stream.indirect.scatter.add.f32 [tilespmem:s14], [sflag:$0x6], $0x10, s23, s9, $0xb8;
	[tilespmem:$0x1AF90] =	vst v63  }
0xd0: {  	_ =	swait.ge [sflag:s22], $0x3E80  }
0xd1: {  	[sflag:s22] =	ssyncset.done $0x0  }
0xd2: {  	[sflag:s22] =	ssyncadd.s32 $0xFFFFC180  }
0xd3: {  	[spmem:s2] =	stream.indirect.scatter.add.f32 [tilespmem:s12], [sflag:$0x6], $0x10, s24, s9, $0xb8;
	[tilespmem:$0x1AF90] =	vst v63  }
0xd4: {  	_ =	swait.ge [sflag:s18], $0x3E80  }
0xd5: {  	[sflag:s18] =	ssyncset.done $0x0  }
0xd6: {  	s28 =	simm.s32 $0x2328;
	[sflag:s18] =	ssyncadd.s32 $0xFFFFC180  }
0xd7: {  	[spmem:s2] =	stream.indirect.scatter.add.f32 [tilespmem:s10], [sflag:$0x6], $0x10, s28, s9, $0xb8;
	[tilespmem:$0x1AF90] =	vst v63  }
0xd8: {  	_ =	swait.ge [sflag:s6], $0x3E80  }
0xd9: {  	[sflag:s6] =	ssyncset.done $0x0  }
0xda: {  	[sflag:s6] =	ssyncadd.s32 $0xFFFFC180  }
0xdb: {  	_ =	swait.ge [sflag:s6], $0x3E80  }
0xdc: {  	[sflag:s6] =	ssyncset.done $0x0  }
0xdd: {  	[sflag:s6] =	ssyncadd.s32 $0xFFFFC180  }
0xde: {  	_ =	swait.ge [sflag:s6], $0x3E80  }
0xdf: {  	[sflag:s6] =	ssyncset.done $0x0  }
0xe0: {  	[sflag:s6] =	ssyncadd.s32 $0xFFFFC180  }
0xe1: {  	_ =	swait.ge [sflag:s6], $0x3E80  }
0xe2: {  	[sflag:s6] =	ssyncset.done $0x0  }
0xe3: {  	[sflag:s6] =	ssyncadd.s32 $0xFFFFC180  }
0xe4: {  	_ =	swait.ge [sflag:s6], $0x3E80  }
0xe5: {  	[sflag:s6] =	ssyncset.done $0x0  }
0xe6: {  	[sflag:s6] =	ssyncadd.s32 $0xFFFFC180  }
0xe7: {  	[bflag:$0x0] =	sbarrier.arrive $0xFFFF  }
0xe8: {  	s30 =	sor.u32 $0x1C07, s3;
	s29 =	rddreg [dreg:$0x9]  }
0xe9: {  	[hbm:s29], [sflag:s30] =	dma.local [spmem:s4], $0x500  }
0xea: {  	_ =	swait.ge [sflag:s8], $0x500  }
0xeb: {  	[sflag:s8] =	ssyncset.done $0x0  }
0xec: {  	[sflag:s8] =	ssyncadd.s32 $0xFFFFFB00  }
0xed: {  	_ =	sfence.sel $0x180000  }
0xee: {  	[bflag:$0x0] =	sbarrier.arrive $0xFFFF  }
0xef: {  	p0 =	sne.s32 s19, $0x0;
	_ =	strace $0x90000047  }
0xf0: {  	s0 =	sadd.s32 @!p0 $0x100000, s31;
	[bflag:$0x2] =	sbarrier.arrive $0xFFFF  }
0xf1: {  	[sflag:s0] =	ssyncadd.tile.s32 @!p0 $0x1;
	_ =	shalt  }
.LBB2_1:
.Ltmp3:
0xf2: {  	(pc) =	sbr.rel .LBB2_6-.Ltmp3, $3  }
0xf3: {  	_ =	sdelay $0x1  }
0xf4: {  	s21 =	simm.s32 $0xFA0;
	s29 =	simm.s32 $0xBB8;
	s28 =	simm.s32 $0x7D0  }
0xf5: {  	s25 =	simm.s32 $0x1770;
	s24 =	simm.s32 $0x1F40;
	s23 =	simm.s32 $0x1B58  }
.LBB2_3:
.Ltmp4:
0xf6: {  	(pc) =	sbr.rel .LBB2_6-.Ltmp4, $4  }
0xf7: {  	_ = 	snop  }
0xf8: {  	s21 =	simm.s32 $0xFA0;
	s29 =	simm.s32 $0xBB8;
	s28 =	simm.s32 $0x7D0  }
0xf9: {  	s25 =	simm.s32 $0x1770;
	s24 =	simm.s32 $0x1F40;
	s31 =	rddreg [dreg:$0x4]  }
0xfa: {  	s23 =	simm.s32 $0x1B58;
	s19 =	stileid.u32;
	s3 =	rddreg [dreg:$0xa]  }
.Lfunc_end2:
_tile_overlayer_lowered:
.L_overlay_start_2:
0xfb: {  	(tag) =	ssettag $0x2  }
0xfc: {  	s0 =	rddreg [dreg:$0x0];
	s2 =	stileid.u32  }
0xfd: {  	s1 =	rddreg [dreg:$0x1];
	p0 =	sne.s32 s2, $0x0  }
0xfe: {  	s3 =	rddreg [dreg:$0x2];
	[bflag:$0x3] =	sbarrier.arrive $0xFFFF;
	s2 =	simm.s32 @!p0 $0x1C07  }
0xff: {  	[timem:s3], [sflag:s2] =	dma.local @!p0 [hbm:s0], s1  }
0x100: {  	s0 =	simm.s32 @!p0 $0x7  }
0x101: {  	_ =	swait.ge @!p0 [sflag:s0], s1  }
0x102: {  	s1 =	ssub.s32 @!p0 $0x0, s1;
	[sflag:s0] =	ssyncset.done @!p0 $0x0  }
0x103: {  	[sflag:s0] =	ssyncadd.s32 @!p0 s1  }
0x104: {  	[bflag:$0x3] =	sbarrier.arrive $0xFFFF  }
0x105: {  	_ =	shalt  }

</sc_bundles>
